<compile_context>
chip_gen: v7x
topology: tpu7x:2x2x1
jax: 0.10.2.dev20260603
libtpu: 0.0.44.dev20260713+nightly
codegen_flags: <defaults>
</compile_context>

<pallas_src>
import functools
import math

import jax
import jax.numpy as jnp
from jax import lax
from jax.experimental import pallas as pl
from jax.experimental.pallas import tpu as pltpu
from jax.experimental.pallas import tpu_sc as plsc

_VOCAB = 100000
_D = 128
_BATCH = 4096
_SEQ = 50
_B = _BATCH * _SEQ
_SCALE = math.sqrt(_D)

_NC = 2
_NS = 16
_NW = _NC * _NS
_BPW = _BATCH // _NW
_ROWS = _BPW
_NCHUNK = _SEQ
_NBUF = 5
_AHEAD = 3


@functools.partial(
    pl.kernel,
    mesh=plsc.VectorSubcoreMesh(core_axis_name="c", subcore_axis_name="s"),
    out_type=jax.ShapeDtypeStruct((_SEQ, _BATCH, _D), jnp.float32),
    scratch_types=(
        [pltpu.VMEM((_BPW * _SEQ,), jnp.int32)]
        + [pltpu.VMEM((_ROWS, _D), jnp.float32) for _ in range(_NBUF)]
        + [pltpu.SemaphoreType.DMA for _ in range(2 * _NBUF)]
    ),
)
def _emb_lookup(tok_hbm, table_hbm, out_hbm, idx_all, *scratch):
    rows = scratch[:_NBUF]
    gsem = scratch[_NBUF:2 * _NBUF]
    osem = scratch[2 * _NBUF:]

    wid = lax.axis_index("s") * _NC + lax.axis_index("c")
    b0 = wid * _BPW
    tok0 = wid * _BPW * _SEQ

    pltpu.sync_copy(tok_hbm.at[pl.ds(tok0, _BPW * _SEQ)], idx_all)

    def start_gather(g, b):
        pltpu.async_copy(
            table_hbm.at[idx_all.at[pl.ds(g * _ROWS, _ROWS)]],
            rows[b], gsem[b])

    def wait_gather(b):
        pltpu.make_async_copy(
            table_hbm.at[pl.ds(0, _ROWS)], rows[b], gsem[b]).wait()

    def start_out(g, b):
        pltpu.async_copy(rows[b], out_hbm.at[g, pl.ds(b0, _ROWS)], osem[b])

    def wait_out(b):
        pltpu.make_async_copy(
            rows[b], out_hbm.at[0, pl.ds(0, _ROWS)], osem[b]).wait()

    def scale_buf(b):
        def scale_pair(i, c):
            for u in range(2):
                for j in range(_D // 16):
                    sl = pl.ds(j * 16, 16)
                    rows[b][i * 2 + u, sl] = rows[b][i * 2 + u, sl] * _SCALE
            return c
        lax.fori_loop(0, _ROWS // 2, scale_pair, 0)

    for b in range(_AHEAD):
        start_gather(b, b)

    def group_body(p, carry):
        g0 = p * _NBUF
        for b in range(_NBUF):
            g = g0 + b
            h = g + _AHEAD
            bb = (b + _AHEAD) % _NBUF

            @pl.when(h < _NCHUNK)
            def _():
                @pl.when(g >= _NBUF - _AHEAD)
                def _():
                    wait_out(bb)
                start_gather(h, bb)

            wait_gather(b)
            scale_buf(b)
            start_out(g, b)
        return carry

    lax.fori_loop(0, _NCHUNK // _NBUF, group_body, 0)
    for b in range(_NBUF):
        wait_out(b)


def kernel(text_tokens, table):
    tok_r = (text_tokens.astype(jnp.int32)
             .reshape(_NW, _BPW, _SEQ)
             .transpose(0, 2, 1)
             .reshape(_B))
    out = _emb_lookup(tok_r, table)
    return out.transpose(1, 0, 2)

# --- scband reference (transcript-rebuilt; emitter-appended) ---
"""Pipeline reference for scband-text-embedder-2465311227957 (READ-ONLY COPY).

The authoritative reference and input builder live on the scoring server;
editing this copy changes nothing except your own understanding.
"""

import jax, jax.numpy as jnp
import numpy as np
import math

VOCAB = 100000
EMBED_DIM = 128
BATCH = 4096
SEQ = 50

def setup_inputs(seed: int = 0) -> dict:
    key = jax.random.key(seed)
    k_tok, k_tab = jax.random.split(key)
    text_tokens = jax.random.randint(k_tok, (BATCH, SEQ), 0, VOCAB, dtype=jnp.int64) if jax.config.jax_enable_x64 else jax.random.randint(k_tok, (BATCH, SEQ), 0, VOCAB, dtype=jnp.int32)
    table = jax.random.normal(k_tab, (VOCAB, EMBED_DIM), dtype=jnp.float32)
    return {"text_tokens": text_tokens, "table": table}

def reference(text_tokens, table):
    # nn.Embedding lookup followed by sqrt(embed_dim) scaling
    emb = jnp.take(table, text_tokens, axis=0)
    scale = math.sqrt(EMBED_DIM)
    return emb * scale

if __name__ == "__main__":
    import jax
    _d = setup_inputs()
    print(jax.jit(kernel)(*tuple(_d.values())))

</pallas_src>

<mosaic_0001>
#map = affine_map<(d0, d1) -> (0)>
#map1 = affine_map<(d0, d1) -> (0, 0)>
#map2 = affine_map<(d0, d1) -> (0, 0, 0)>
module attributes {stable_mosaic.version = 14 : i64} {
  func.func @_emb_lookup(%arg0: i32, %arg1: i32, %arg2: memref<204800xi32, #tpu.memory_space<hbm>>, %arg3: memref<100000x128xf32, #tpu.memory_space<hbm>>, %arg4: memref<50x4096x128xf32, #tpu.memory_space<hbm>>, %arg5: memref<6400xi32, #tpu.memory_space<vmem>>, %arg6: memref<128x128xf32, #tpu.memory_space<vmem>>, %arg7: memref<128x128xf32, #tpu.memory_space<vmem>>, %arg8: memref<128x128xf32, #tpu.memory_space<vmem>>, %arg9: memref<128x128xf32, #tpu.memory_space<vmem>>, %arg10: memref<128x128xf32, #tpu.memory_space<vmem>>, %arg11: memref<!tpu.dma_semaphore, #tpu.memory_space<semaphore_mem>>, %arg12: memref<!tpu.dma_semaphore, #tpu.memory_space<semaphore_mem>>, %arg13: memref<!tpu.dma_semaphore, #tpu.memory_space<semaphore_mem>>, %arg14: memref<!tpu.dma_semaphore, #tpu.memory_space<semaphore_mem>>, %arg15: memref<!tpu.dma_semaphore, #tpu.memory_space<semaphore_mem>>, %arg16: memref<!tpu.dma_semaphore, #tpu.memory_space<semaphore_mem>>, %arg17: memref<!tpu.dma_semaphore, #tpu.memory_space<semaphore_mem>>, %arg18: memref<!tpu.dma_semaphore, #tpu.memory_space<semaphore_mem>>, %arg19: memref<!tpu.dma_semaphore, #tpu.memory_space<semaphore_mem>>, %arg20: memref<!tpu.dma_semaphore, #tpu.memory_space<semaphore_mem>>) attributes {dimension_semantics = [#tpu.dimension_semantics<core_parallel>, #tpu.dimension_semantics<subcore_parallel>], iteration_bounds = array<i64: 2, 16>, scalar_prefetch = 0 : i64, scratch_operands = 16 : i64, tpu.core_type = #tpu.core_type<sc_vector_subcore>, window_params = [{transform_indices = #map}, {transform_indices = #map1}, {transform_indices = #map2}]} {
    %mul3A = arith.constant 2 : i32
    %mul3A_0 = arith.muli %arg1, %mul3A : i32
    %add3A = arith.addi %mul3A_0, %arg0 : i32
    %mul3A_1 = arith.constant 128 : i32
    %mul3A_2 = arith.muli %add3A, %mul3A_1 : i32
    %mul3A_3 = arith.constant 128 : i32
    %mul3A_4 = arith.muli %add3A, %mul3A_3 : i32
    %mul3A_5 = arith.constant 50 : i32
    %mul3A_6 = arith.muli %mul3A_4, %mul3A_5 : i32
    "tpu.region"() ({
      %run_scoped3A = tpu.sem_alloc : memref<!tpu.dma_semaphore, #tpu.memory_space<semaphore_mem>>
      %dma_start3A_70 = tpu.memref_slice %arg2[%mul3A_6] : memref<204800xi32, #tpu.memory_space<hbm>> -> memref<6400xi32, #tpu.memory_space<hbm>>
      %dma_start3A_71 = tpu.memref_slice %arg2[%mul3A_6] : memref<204800xi32, #tpu.memory_space<hbm>> -> memref<6400xi32, #tpu.memory_space<hbm>>
      tpu.enqueue_dma source(%dma_start3A_71 : memref<6400xi32, #tpu.memory_space<hbm>>) target(%arg5 : memref<6400xi32, #tpu.memory_space<vmem>>) target_semaphore(%run_scoped3A : memref<!tpu.dma_semaphore, #tpu.memory_space<semaphore_mem>>)
      %dma_wait3A_72 = tpu.memref_slice %arg2[%mul3A_6] : memref<204800xi32, #tpu.memory_space<hbm>> -> memref<6400xi32, #tpu.memory_space<hbm>>
      %dma_wait3A_73 = tpu.memref_slice %arg2[%mul3A_6] : memref<204800xi32, #tpu.memory_space<hbm>> -> memref<6400xi32, #tpu.memory_space<hbm>>
      tpu.wait_dma2 semaphore(%run_scoped3A : memref<!tpu.dma_semaphore, #tpu.memory_space<semaphore_mem>>) src(%dma_wait3A_73 : memref<6400xi32, #tpu.memory_space<hbm>>) dst(%arg5 : memref<6400xi32, #tpu.memory_space<vmem>>)
      tpu.yield
    }) : () -> ()
    %dma_start3A = arith.constant 0 : i32
    %dma_start3A_7 = tpu.memref_slice %arg5[%dma_start3A] : memref<6400xi32, #tpu.memory_space<vmem>> -> memref<128xi32, #tpu.memory_space<vmem>>
    %dma_start3A_8 = arith.constant 0 : i32
    %dma_start3A_9 = arith.constant 0 : i32
    %dma_start3A_10 = tpu.memref_slice %arg3[%dma_start3A_8, %dma_start3A_9] : memref<100000x128xf32, #tpu.memory_space<hbm>> -> memref<100000x128xf32, #tpu.memory_space<hbm>>
    tpu.enqueue_indirect_dma source(%dma_start3A_10 : memref<100000x128xf32, #tpu.memory_space<hbm>>) target(%arg6 : memref<128x128xf32, #tpu.memory_space<vmem>>) offsets(%dma_start3A_7 : memref<128xi32, #tpu.memory_space<vmem>>) semaphore(%arg11 : memref<!tpu.dma_semaphore, #tpu.memory_space<semaphore_mem>>)
    %dma_start3A_11 = arith.constant 128 : i32
    %dma_start3A_12 = tpu.memref_slice %arg5[%dma_start3A_11] : memref<6400xi32, #tpu.memory_space<vmem>> -> memref<128xi32, #tpu.memory_space<vmem>>
    %dma_start3A_13 = arith.constant 0 : i32
    %dma_start3A_14 = arith.constant 0 : i32
    %dma_start3A_15 = tpu.memref_slice %arg3[%dma_start3A_13, %dma_start3A_14] : memref<100000x128xf32, #tpu.memory_space<hbm>> -> memref<100000x128xf32, #tpu.memory_space<hbm>>
    tpu.enqueue_indirect_dma source(%dma_start3A_15 : memref<100000x128xf32, #tpu.memory_space<hbm>>) target(%arg7 : memref<128x128xf32, #tpu.memory_space<vmem>>) offsets(%dma_start3A_12 : memref<128xi32, #tpu.memory_space<vmem>>) semaphore(%arg12 : memref<!tpu.dma_semaphore, #tpu.memory_space<semaphore_mem>>)
    %dma_start3A_16 = arith.constant 256 : i32
    %dma_start3A_17 = tpu.memref_slice %arg5[%dma_start3A_16] : memref<6400xi32, #tpu.memory_space<vmem>> -> memref<128xi32, #tpu.memory_space<vmem>>
    %dma_start3A_18 = arith.constant 0 : i32
    %dma_start3A_19 = arith.constant 0 : i32
    %dma_start3A_20 = tpu.memref_slice %arg3[%dma_start3A_18, %dma_start3A_19] : memref<100000x128xf32, #tpu.memory_space<hbm>> -> memref<100000x128xf32, #tpu.memory_space<hbm>>
    tpu.enqueue_indirect_dma source(%dma_start3A_20 : memref<100000x128xf32, #tpu.memory_space<hbm>>) target(%arg8 : memref<128x128xf32, #tpu.memory_space<vmem>>) offsets(%dma_start3A_17 : memref<128xi32, #tpu.memory_space<vmem>>) semaphore(%arg13 : memref<!tpu.dma_semaphore, #tpu.memory_space<semaphore_mem>>)
    %scan3A = arith.constant 0 : i32
    %scan3A_21 = arith.constant 0 : i32
    %scan3A_22 = arith.constant 10 : i32
    %scan3A_23 = arith.addi %scan3A_21, %scan3A_22 : i32
    %scan3A_24 = arith.constant 1 : i32
    scf.for %scan3A_70 = %scan3A_21 to %scan3A_23 step %scan3A_24  : i32 {
      %mul3A_71 = arith.constant 5 : i32
      %mul3A_72 = arith.muli %scan3A_70, %mul3A_71 : i32
      %add3A_73 = arith.constant 0 : i32
      %add3A_74 = arith.addi %mul3A_72, %add3A_73 : i32
      %add3A_75 = arith.constant 3 : i32
      %add3A_76 = arith.addi %add3A_74, %add3A_75 : i32
      %lt3A = arith.constant 50 : i32
      %lt3A_77 = arith.cmpi slt, %add3A_76, %lt3A : i32
      %convert_element_type3A = arith.extui %lt3A_77 : i1 to i32
      %cond3A = arith.constant 0 : i32
      %cond3A_78 = arith.cmpi ne, %convert_element_type3A, %cond3A : i32
      scf.if %cond3A_78 {
        %ge3A = arith.constant 2 : i32
        %ge3A_205 = arith.cmpi sge, %add3A_74, %ge3A : i32
        %convert_element_type3A_206 = arith.extui %ge3A_205 : i1 to i32
        %cond3A_207 = arith.constant 0 : i32
        %cond3A_208 = arith.cmpi ne, %convert_element_type3A_206, %cond3A_207 : i32
        scf.if %cond3A_208 {
          %dma_wait3A_215 = arith.constant 0 : i32
          %dma_wait3A_216 = arith.constant 0 : i32
          %dma_wait3A_217 = arith.constant 0 : i32
          %dma_wait3A_218 = tpu.memref_slice %arg4[%dma_wait3A_215, %dma_wait3A_216, %dma_wait3A_217] : memref<50x4096x128xf32, #tpu.memory_space<hbm>> -> memref<1x128x128xf32, #tpu.memory_space<hbm>>
          %dma_wait3A_219 = tpu.memref_squeeze %dma_wait3A_218 : memref<1x128x128xf32, #tpu.memory_space<hbm>> -> memref<128x128xf32, #tpu.memory_space<hbm>>
          %dma_wait3A_220 = arith.constant 0 : i32
          %dma_wait3A_221 = arith.constant 0 : i32
          %dma_wait3A_222 = tpu.memref_slice %arg4[%dma_wait3A_215, %dma_wait3A_220, %dma_wait3A_221] : memref<50x4096x128xf32, #tpu.memory_space<hbm>> -> memref<1x128x128xf32, #tpu.memory_space<hbm>>
          %dma_wait3A_223 = tpu.memref_squeeze %dma_wait3A_222 : memref<1x128x128xf32, #tpu.memory_space<hbm>> -> memref<128x128xf32, #tpu.memory_space<hbm>>
          tpu.wait_dma2 semaphore(%arg19 : memref<!tpu.dma_semaphore, #tpu.memory_space<semaphore_mem>>) src(%arg9 : memref<128x128xf32, #tpu.memory_space<vmem>>) dst(%dma_wait3A_223 : memref<128x128xf32, #tpu.memory_space<hbm>>)
        } else {
        }
        %mul3A_209 = arith.constant 128 : i32
        %mul3A_210 = arith.muli %add3A_76, %mul3A_209 : i32
        %dma_start3A_211 = tpu.memref_slice %arg5[%mul3A_210] : memref<6400xi32, #tpu.memory_space<vmem>> -> memref<128xi32, #tpu.memory_space<vmem>>
        %dma_start3A_212 = arith.constant 0 : i32
        %dma_start3A_213 = arith.constant 0 : i32
        %dma_start3A_214 = tpu.memref_slice %arg3[%dma_start3A_212, %dma_start3A_213] : memref<100000x128xf32, #tpu.memory_space<hbm>> -> memref<100000x128xf32, #tpu.memory_space<hbm>>
        tpu.enqueue_indirect_dma source(%dma_start3A_214 : memref<100000x128xf32, #tpu.memory_space<hbm>>) target(%arg9 : memref<128x128xf32, #tpu.memory_space<vmem>>) offsets(%dma_start3A_211 : memref<128xi32, #tpu.memory_space<vmem>>) semaphore(%arg14 : memref<!tpu.dma_semaphore, #tpu.memory_space<semaphore_mem>>)
      } else {
      }
      %dma_wait3A_79 = arith.constant 0 : i32
      %dma_wait3A_80 = arith.constant 0 : i32
      %dma_wait3A_81 = tpu.memref_slice %arg3[%dma_wait3A_79, %dma_wait3A_80] : memref<100000x128xf32, #tpu.memory_space<hbm>> -> memref<128x128xf32, #tpu.memory_space<hbm>>
      %dma_wait3A_82 = arith.constant 0 : i32
      %dma_wait3A_83 = arith.constant 0 : i32
      %dma_wait3A_84 = tpu.memref_slice %arg3[%dma_wait3A_82, %dma_wait3A_83] : memref<100000x128xf32, #tpu.memory_space<hbm>> -> memref<128x128xf32, #tpu.memory_space<hbm>>
      tpu.wait_dma2 semaphore(%arg11 : memref<!tpu.dma_semaphore, #tpu.memory_space<semaphore_mem>>) src(%dma_wait3A_84 : memref<128x128xf32, #tpu.memory_space<hbm>>) dst(%arg6 : memref<128x128xf32, #tpu.memory_space<vmem>>)
      %scan3A_85 = arith.constant 0 : i32
      %scan3A_86 = arith.constant 0 : i32
      %scan3A_87 = arith.constant 64 : i32
      %scan3A_88 = arith.addi %scan3A_86, %scan3A_87 : i32
      %scan3A_89 = arith.constant 1 : i32
      scf.for %scan3A_205 = %scan3A_86 to %scan3A_88 step %scan3A_89  : i32 {
        %mul3A_206 = arith.constant 2 : i32
        %mul3A_207 = arith.muli %scan3A_205, %mul3A_206 : i32
        %add3A_208 = arith.constant 0 : i32
        %add3A_209 = arith.addi %mul3A_207, %add3A_208 : i32
        %get3A = arith.index_cast %add3A_209 : i32 to index
        %get3A_210 = arith.constant 0 : index
        %get3A_211 = tpu.vector_load %arg6[%get3A, %get3A_210] {strides = array<i32>} : memref<128x128xf32, #tpu.memory_space<vmem>>, vector<1x16xf32>,
        %get3A_212 = vector.shape_cast %get3A_211 : vector<1x16xf32> to vector<16xf32>
        %mul3A_213 = arith.constant 11.3137083 : f32
        %mul3A_214 = vector.broadcast %mul3A_213 : f32 to vector<16xf32>
        %mul3A_215 = arith.mulf %get3A_212, %mul3A_214 : vector<16xf32>
        %mul3A_216 = arith.constant 2 : i32
        %mul3A_217 = arith.muli %scan3A_205, %mul3A_216 : i32
        %add3A_218 = arith.constant 0 : i32
        %add3A_219 = arith.addi %mul3A_217, %add3A_218 : i32
        %swap3A = arith.index_cast %add3A_219 : i32 to index
        %swap3A_220 = arith.constant 0 : index
        %swap3A_221 = tpu.vector_load %arg6[%swap3A, %swap3A_220] {strides = array<i32>} : memref<128x128xf32, #tpu.memory_space<vmem>>, vector<1x16xf32>,
        %swap3A_222 = vector.shape_cast %swap3A_221 : vector<1x16xf32> to vector<16xf32>
        %swap3A_223 = vector.shape_cast %mul3A_215 : vector<16xf32> to vector<1x16xf32>
        tpu.vector_store %arg6[%swap3A, %swap3A_220], %swap3A_223 {strides = array<i32>} : memref<128x128xf32, #tpu.memory_space<vmem>>, vector<1x16xf32>,
        %mul3A_224 = arith.constant 2 : i32
        %mul3A_225 = arith.muli %scan3A_205, %mul3A_224 : i32
        %add3A_226 = arith.constant 0 : i32
        %add3A_227 = arith.addi %mul3A_225, %add3A_226 : i32
        %get3A_228 = arith.index_cast %add3A_227 : i32 to index
        %get3A_229 = arith.constant 16 : index
        %get3A_230 = tpu.vector_load %arg6[%get3A_228, %get3A_229] {strides = array<i32>} : memref<128x128xf32, #tpu.memory_space<vmem>>, vector<1x16xf32>,
        %get3A_231 = vector.shape_cast %get3A_230 : vector<1x16xf32> to vector<16xf32>
        %mul3A_232 = arith.constant 11.3137083 : f32
        %mul3A_233 = vector.broadcast %mul3A_232 : f32 to vector<16xf32>
        %mul3A_234 = arith.mulf %get3A_231, %mul3A_233 : vector<16xf32>
        %mul3A_235 = arith.constant 2 : i32
        %mul3A_236 = arith.muli %scan3A_205, %mul3A_235 : i32
        %add3A_237 = arith.constant 0 : i32
        %add3A_238 = arith.addi %mul3A_236, %add3A_237 : i32
        %swap3A_239 = arith.index_cast %add3A_238 : i32 to index
        %swap3A_240 = arith.constant 16 : index
        %swap3A_241 = tpu.vector_load %arg6[%swap3A_239, %swap3A_240] {strides = array<i32>} : memref<128x128xf32, #tpu.memory_space<vmem>>, vector<1x16xf32>,
        %swap3A_242 = vector.shape_cast %swap3A_241 : vector<1x16xf32> to vector<16xf32>
        %swap3A_243 = vector.shape_cast %mul3A_234 : vector<16xf32> to vector<1x16xf32>
        tpu.vector_store %arg6[%swap3A_239, %swap3A_240], %swap3A_243 {strides = array<i32>} : memref<128x128xf32, #tpu.memory_space<vmem>>, vector<1x16xf32>,
        %mul3A_244 = arith.constant 2 : i32
        %mul3A_245 = arith.muli %scan3A_205, %mul3A_244 : i32
        %add3A_246 = arith.constant 0 : i32
        %add3A_247 = arith.addi %mul3A_245, %add3A_246 : i32
        %get3A_248 = arith.index_cast %add3A_247 : i32 to index
        %get3A_249 = arith.constant 32 : index
        %get3A_250 = tpu.vector_load %arg6[%get3A_248, %get3A_249] {strides = array<i32>} : memref<128x128xf32, #tpu.memory_space<vmem>>, vector<1x16xf32>,
        %get3A_251 = vector.shape_cast %get3A_250 : vector<1x16xf32> to vector<16xf32>
        %mul3A_252 = arith.constant 11.3137083 : f32
        %mul3A_253 = vector.broadcast %mul3A_252 : f32 to vector<16xf32>
        %mul3A_254 = arith.mulf %get3A_251, %mul3A_253 : vector<16xf32>
        %mul3A_255 = arith.constant 2 : i32
        %mul3A_256 = arith.muli %scan3A_205, %mul3A_255 : i32
        %add3A_257 = arith.constant 0 : i32
        %add3A_258 = arith.addi %mul3A_256, %add3A_257 : i32
        %swap3A_259 = arith.index_cast %add3A_258 : i32 to index
        %swap3A_260 = arith.constant 32 : index
        %swap3A_261 = tpu.vector_load %arg6[%swap3A_259, %swap3A_260] {strides = array<i32>} : memref<128x128xf32, #tpu.memory_space<vmem>>, vector<1x16xf32>,
        %swap3A_262 = vector.shape_cast %swap3A_261 : vector<1x16xf32> to vector<16xf32>
        %swap3A_263 = vector.shape_cast %mul3A_254 : vector<16xf32> to vector<1x16xf32>
        tpu.vector_store %arg6[%swap3A_259, %swap3A_260], %swap3A_263 {strides = array<i32>} : memref<128x128xf32, #tpu.memory_space<vmem>>, vector<1x16xf32>,
        %mul3A_264 = arith.constant 2 : i32
        %mul3A_265 = arith.muli %scan3A_205, %mul3A_264 : i32
        %add3A_266 = arith.constant 0 : i32
        %add3A_267 = arith.addi %mul3A_265, %add3A_266 : i32
        %get3A_268 = arith.index_cast %add3A_267 : i32 to index
        %get3A_269 = arith.constant 48 : index
        %get3A_270 = tpu.vector_load %arg6[%get3A_268, %get3A_269] {strides = array<i32>} : memref<128x128xf32, #tpu.memory_space<vmem>>, vector<1x16xf32>,
        %get3A_271 = vector.shape_cast %get3A_270 : vector<1x16xf32> to vector<16xf32>
        %mul3A_272 = arith.constant 11.3137083 : f32
        %mul3A_273 = vector.broadcast %mul3A_272 : f32 to vector<16xf32>
        %mul3A_274 = arith.mulf %get3A_271, %mul3A_273 : vector<16xf32>
        %mul3A_275 = arith.constant 2 : i32
        %mul3A_276 = arith.muli %scan3A_205, %mul3A_275 : i32
        %add3A_277 = arith.constant 0 : i32
        %add3A_278 = arith.addi %mul3A_276, %add3A_277 : i32
        %swap3A_279 = arith.index_cast %add3A_278 : i32 to index
        %swap3A_280 = arith.constant 48 : index
        %swap3A_281 = tpu.vector_load %arg6[%swap3A_279, %swap3A_280] {strides = array<i32>} : memref<128x128xf32, #tpu.memory_space<vmem>>, vector<1x16xf32>,
        %swap3A_282 = vector.shape_cast %swap3A_281 : vector<1x16xf32> to vector<16xf32>
        %swap3A_283 = vector.shape_cast %mul3A_274 : vector<16xf32> to vector<1x16xf32>
        tpu.vector_store %arg6[%swap3A_279, %swap3A_280], %swap3A_283 {strides = array<i32>} : memref<128x128xf32, #tpu.memory_space<vmem>>, vector<1x16xf32>,
        %mul3A_284 = arith.constant 2 : i32
        %mul3A_285 = arith.muli %scan3A_205, %mul3A_284 : i32
        %add3A_286 = arith.constant 0 : i32
        %add3A_287 = arith.addi %mul3A_285, %add3A_286 : i32
        %get3A_288 = arith.index_cast %add3A_287 : i32 to index
        %get3A_289 = arith.constant 64 : index
        %get3A_290 = tpu.vector_load %arg6[%get3A_288, %get3A_289] {strides = array<i32>} : memref<128x128xf32, #tpu.memory_space<vmem>>, vector<1x16xf32>,
        %get3A_291 = vector.shape_cast %get3A_290 : vector<1x16xf32> to vector<16xf32>
        %mul3A_292 = arith.constant 11.3137083 : f32
        %mul3A_293 = vector.broadcast %mul3A_292 : f32 to vector<16xf32>
        %mul3A_294 = arith.mulf %get3A_291, %mul3A_293 : vector<16xf32>
        %mul3A_295 = arith.constant 2 : i32
        %mul3A_296 = arith.muli %scan3A_205, %mul3A_295 : i32
        %add3A_297 = arith.constant 0 : i32
        %add3A_298 = arith.addi %mul3A_296, %add3A_297 : i32
        %swap3A_299 = arith.index_cast %add3A_298 : i32 to index
        %swap3A_300 = arith.constant 64 : index
        %swap3A_301 = tpu.vector_load %arg6[%swap3A_299, %swap3A_300] {strides = array<i32>} : memref<128x128xf32, #tpu.memory_space<vmem>>, vector<1x16xf32>,
        %swap3A_302 = vector.shape_cast %swap3A_301 : vector<1x16xf32> to vector<16xf32>
        %swap3A_303 = vector.shape_cast %mul3A_294 : vector<16xf32> to vector<1x16xf32>
        tpu.vector_store %arg6[%swap3A_299, %swap3A_300], %swap3A_303 {strides = array<i32>} : memref<128x128xf32, #tpu.memory_space<vmem>>, vector<1x16xf32>,
        %mul3A_304 = arith.constant 2 : i32
        %mul3A_305 = arith.muli %scan3A_205, %mul3A_304 : i32
        %add3A_306 = arith.constant 0 : i32
        %add3A_307 = arith.addi %mul3A_305, %add3A_306 : i32
        %get3A_308 = arith.index_cast %add3A_307 : i32 to index
        %get3A_309 = arith.constant 80 : index
        %get3A_310 = tpu.vector_load %arg6[%get3A_308, %get3A_309] {strides = array<i32>} : memref<128x128xf32, #tpu.memory_space<vmem>>, vector<1x16xf32>,
        %get3A_311 = vector.shape_cast %get3A_310 : vector<1x16xf32> to vector<16xf32>
        %mul3A_312 = arith.constant 11.3137083 : f32
        %mul3A_313 = vector.broadcast %mul3A_312 : f32 to vector<16xf32>
        %mul3A_314 = arith.mulf %get3A_311, %mul3A_313 : vector<16xf32>
        %mul3A_315 = arith.constant 2 : i32
        %mul3A_316 = arith.muli %scan3A_205, %mul3A_315 : i32
        %add3A_317 = arith.constant 0 : i32
        %add3A_318 = arith.addi %mul3A_316, %add3A_317 : i32
        %swap3A_319 = arith.index_cast %add3A_318 : i32 to index
        %swap3A_320 = arith.constant 80 : index
        %swap3A_321 = tpu.vector_load %arg6[%swap3A_319, %swap3A_320] {strides = array<i32>} : memref<128x128xf32, #tpu.memory_space<vmem>>, vector<1x16xf32>,
        %swap3A_322 = vector.shape_cast %swap3A_321 : vector<1x16xf32> to vector<16xf32>
        %swap3A_323 = vector.shape_cast %mul3A_314 : vector<16xf32> to vector<1x16xf32>
        tpu.vector_store %arg6[%swap3A_319, %swap3A_320], %swap3A_323 {strides = array<i32>} : memref<128x128xf32, #tpu.memory_space<vmem>>, vector<1x16xf32>,
        %mul3A_324 = arith.constant 2 : i32
        %mul3A_325 = arith.muli %scan3A_205, %mul3A_324 : i32
        %add3A_326 = arith.constant 0 : i32
        %add3A_327 = arith.addi %mul3A_325, %add3A_326 : i32
        %get3A_328 = arith.index_cast %add3A_327 : i32 to index
        %get3A_329 = arith.constant 96 : index
        %get3A_330 = tpu.vector_load %arg6[%get3A_328, %get3A_329] {strides = array<i32>} : memref<128x128xf32, #tpu.memory_space<vmem>>, vector<1x16xf32>,
        %get3A_331 = vector.shape_cast %get3A_330 : vector<1x16xf32> to vector<16xf32>
        %mul3A_332 = arith.constant 11.3137083 : f32
        %mul3A_333 = vector.broadcast %mul3A_332 : f32 to vector<16xf32>
        %mul3A_334 = arith.mulf %get3A_331, %mul3A_333 : vector<16xf32>
        %mul3A_335 = arith.constant 2 : i32
        %mul3A_336 = arith.muli %scan3A_205, %mul3A_335 : i32
        %add3A_337 = arith.constant 0 : i32
        %add3A_338 = arith.addi %mul3A_336, %add3A_337 : i32
        %swap3A_339 = arith.index_cast %add3A_338 : i32 to index
        %swap3A_340 = arith.constant 96 : index
        %swap3A_341 = tpu.vector_load %arg6[%swap3A_339, %swap3A_340] {strides = array<i32>} : memref<128x128xf32, #tpu.memory_space<vmem>>, vector<1x16xf32>,
        %swap3A_342 = vector.shape_cast %swap3A_341 : vector<1x16xf32> to vector<16xf32>
        %swap3A_343 = vector.shape_cast %mul3A_334 : vector<16xf32> to vector<1x16xf32>
        tpu.vector_store %arg6[%swap3A_339, %swap3A_340], %swap3A_343 {strides = array<i32>} : memref<128x128xf32, #tpu.memory_space<vmem>>, vector<1x16xf32>,
        %mul3A_344 = arith.constant 2 : i32
        %mul3A_345 = arith.muli %scan3A_205, %mul3A_344 : i32
        %add3A_346 = arith.constant 0 : i32
        %add3A_347 = arith.addi %mul3A_345, %add3A_346 : i32
        %get3A_348 = arith.index_cast %add3A_347 : i32 to index
        %get3A_349 = arith.constant 112 : index
        %get3A_350 = tpu.vector_load %arg6[%get3A_348, %get3A_349] {strides = array<i32>} : memref<128x128xf32, #tpu.memory_space<vmem>>, vector<1x16xf32>,
        %get3A_351 = vector.shape_cast %get3A_350 : vector<1x16xf32> to vector<16xf32>
        %mul3A_352 = arith.constant 11.3137083 : f32
        %mul3A_353 = vector.broadcast %mul3A_352 : f32 to vector<16xf32>
        %mul3A_354 = arith.mulf %get3A_351, %mul3A_353 : vector<16xf32>
        %mul3A_355 = arith.constant 2 : i32
        %mul3A_356 = arith.muli %scan3A_205, %mul3A_355 : i32
        %add3A_357 = arith.constant 0 : i32
        %add3A_358 = arith.addi %mul3A_356, %add3A_357 : i32
        %swap3A_359 = arith.index_cast %add3A_358 : i32 to index
        %swap3A_360 = arith.constant 112 : index
        %swap3A_361 = tpu.vector_load %arg6[%swap3A_359, %swap3A_360] {strides = array<i32>} : memref<128x128xf32, #tpu.memory_space<vmem>>, vector<1x16xf32>,
        %swap3A_362 = vector.shape_cast %swap3A_361 : vector<1x16xf32> to vector<16xf32>
        %swap3A_363 = vector.shape_cast %mul3A_354 : vector<16xf32> to vector<1x16xf32>
        tpu.vector_store %arg6[%swap3A_359, %swap3A_360], %swap3A_363 {strides = array<i32>} : memref<128x128xf32, #tpu.memory_space<vmem>>, vector<1x16xf32>,
        %mul3A_364 = arith.constant 2 : i32
        %mul3A_365 = arith.muli %scan3A_205, %mul3A_364 : i32
        %add3A_366 = arith.constant 1 : i32
        %add3A_367 = arith.addi %mul3A_365, %add3A_366 : i32
        %get3A_368 = arith.index_cast %add3A_367 : i32 to index
        %get3A_369 = arith.constant 0 : index
        %get3A_370 = tpu.vector_load %arg6[%get3A_368, %get3A_369] {strides = array<i32>} : memref<128x128xf32, #tpu.memory_space<vmem>>, vector<1x16xf32>,
        %get3A_371 = vector.shape_cast %get3A_370 : vector<1x16xf32> to vector<16xf32>
        %mul3A_372 = arith.constant 11.3137083 : f32
        %mul3A_373 = vector.broadcast %mul3A_372 : f32 to vector<16xf32>
        %mul3A_374 = arith.mulf %get3A_371, %mul3A_373 : vector<16xf32>
        %mul3A_375 = arith.constant 2 : i32
        %mul3A_376 = arith.muli %scan3A_205, %mul3A_375 : i32
        %add3A_377 = arith.constant 1 : i32
        %add3A_378 = arith.addi %mul3A_376, %add3A_377 : i32
        %swap3A_379 = arith.index_cast %add3A_378 : i32 to index
        %swap3A_380 = arith.constant 0 : index
        %swap3A_381 = tpu.vector_load %arg6[%swap3A_379, %swap3A_380] {strides = array<i32>} : memref<128x128xf32, #tpu.memory_space<vmem>>, vector<1x16xf32>,
        %swap3A_382 = vector.shape_cast %swap3A_381 : vector<1x16xf32> to vector<16xf32>
        %swap3A_383 = vector.shape_cast %mul3A_374 : vector<16xf32> to vector<1x16xf32>
        tpu.vector_store %arg6[%swap3A_379, %swap3A_380], %swap3A_383 {strides = array<i32>} : memref<128x128xf32, #tpu.memory_space<vmem>>, vector<1x16xf32>,
        %mul3A_384 = arith.constant 2 : i32
        %mul3A_385 = arith.muli %scan3A_205, %mul3A_384 : i32
        %add3A_386 = arith.constant 1 : i32
        %add3A_387 = arith.addi %mul3A_385, %add3A_386 : i32
        %get3A_388 = arith.index_cast %add3A_387 : i32 to index
        %get3A_389 = arith.constant 16 : index
        %get3A_390 = tpu.vector_load %arg6[%get3A_388, %get3A_389] {strides = array<i32>} : memref<128x128xf32, #tpu.memory_space<vmem>>, vector<1x16xf32>,
        %get3A_391 = vector.shape_cast %get3A_390 : vector<1x16xf32> to vector<16xf32>
        %mul3A_392 = arith.constant 11.3137083 : f32
        %mul3A_393 = vector.broadcast %mul3A_392 : f32 to vector<16xf32>
        %mul3A_394 = arith.mulf %get3A_391, %mul3A_393 : vector<16xf32>
        %mul3A_395 = arith.constant 2 : i32
        %mul3A_396 = arith.muli %scan3A_205, %mul3A_395 : i32
        %add3A_397 = arith.constant 1 : i32
        %add3A_398 = arith.addi %mul3A_396, %add3A_397 : i32
        %swap3A_399 = arith.index_cast %add3A_398 : i32 to index
        %swap3A_400 = arith.constant 16 : index
        %swap3A_401 = tpu.vector_load %arg6[%swap3A_399, %swap3A_400] {strides = array<i32>} : memref<128x128xf32, #tpu.memory_space<vmem>>, vector<1x16xf32>,
        %swap3A_402 = vector.shape_cast %swap3A_401 : vector<1x16xf32> to vector<16xf32>
        %swap3A_403 = vector.shape_cast %mul3A_394 : vector<16xf32> to vector<1x16xf32>
        tpu.vector_store %arg6[%swap3A_399, %swap3A_400], %swap3A_403 {strides = array<i32>} : memref<128x128xf32, #tpu.memory_space<vmem>>, vector<1x16xf32>,
        %mul3A_404 = arith.constant 2 : i32
        %mul3A_405 = arith.muli %scan3A_205, %mul3A_404 : i32
        %add3A_406 = arith.constant 1 : i32
        %add3A_407 = arith.addi %mul3A_405, %add3A_406 : i32
        %get3A_408 = arith.index_cast %add3A_407 : i32 to index
        %get3A_409 = arith.constant 32 : index
        %get3A_410 = tpu.vector_load %arg6[%get3A_408, %get3A_409] {strides = array<i32>} : memref<128x128xf32, #tpu.memory_space<vmem>>, vector<1x16xf32>,
        %get3A_411 = vector.shape_cast %get3A_410 : vector<1x16xf32> to vector<16xf32>
        %mul3A_412 = arith.constant 11.3137083 : f32
        %mul3A_413 = vector.broadcast %mul3A_412 : f32 to vector<16xf32>
        %mul3A_414 = arith.mulf %get3A_411, %mul3A_413 : vector<16xf32>
        %mul3A_415 = arith.constant 2 : i32
        %mul3A_416 = arith.muli %scan3A_205, %mul3A_415 : i32
        %add3A_417 = arith.constant 1 : i32
        %add3A_418 = arith.addi %mul3A_416, %add3A_417 : i32
        %swap3A_419 = arith.index_cast %add3A_418 : i32 to index
        %swap3A_420 = arith.constant 32 : index
        %swap3A_421 = tpu.vector_load %arg6[%swap3A_419, %swap3A_420] {strides = array<i32>} : memref<128x128xf32, #tpu.memory_space<vmem>>, vector<1x16xf32>,
        %swap3A_422 = vector.shape_cast %swap3A_421 : vector<1x16xf32> to vector<16xf32>
        %swap3A_423 = vector.shape_cast %mul3A_414 : vector<16xf32> to vector<1x16xf32>
        tpu.vector_store %arg6[%swap3A_419, %swap3A_420], %swap3A_423 {strides = array<i32>} : memref<128x128xf32, #tpu.memory_space<vmem>>, vector<1x16xf32>,
        %mul3A_424 = arith.constant 2 : i32
        %mul3A_425 = arith.muli %scan3A_205, %mul3A_424 : i32
        %add3A_426 = arith.constant 1 : i32
        %add3A_427 = arith.addi %mul3A_425, %add3A_426 : i32
        %get3A_428 = arith.index_cast %add3A_427 : i32 to index
        %get3A_429 = arith.constant 48 : index
        %get3A_430 = tpu.vector_load %arg6[%get3A_428, %get3A_429] {strides = array<i32>} : memref<128x128xf32, #tpu.memory_space<vmem>>, vector<1x16xf32>,
        %get3A_431 = vector.shape_cast %get3A_430 : vector<1x16xf32> to vector<16xf32>
        %mul3A_432 = arith.constant 11.3137083 : f32
        %mul3A_433 = vector.broadcast %mul3A_432 : f32 to vector<16xf32>
        %mul3A_434 = arith.mulf %get3A_431, %mul3A_433 : vector<16xf32>
        %mul3A_435 = arith.constant 2 : i32
        %mul3A_436 = arith.muli %scan3A_205, %mul3A_435 : i32
        %add3A_437 = arith.constant 1 : i32
        %add3A_438 = arith.addi %mul3A_436, %add3A_437 : i32
        %swap3A_439 = arith.index_cast %add3A_438 : i32 to index
        %swap3A_440 = arith.constant 48 : index
        %swap3A_441 = tpu.vector_load %arg6[%swap3A_439, %swap3A_440] {strides = array<i32>} : memref<128x128xf32, #tpu.memory_space<vmem>>, vector<1x16xf32>,
        %swap3A_442 = vector.shape_cast %swap3A_441 : vector<1x16xf32> to vector<16xf32>
        %swap3A_443 = vector.shape_cast %mul3A_434 : vector<16xf32> to vector<1x16xf32>
        tpu.vector_store %arg6[%swap3A_439, %swap3A_440], %swap3A_443 {strides = array<i32>} : memref<128x128xf32, #tpu.memory_space<vmem>>, vector<1x16xf32>,
        %mul3A_444 = arith.constant 2 : i32
        %mul3A_445 = arith.muli %scan3A_205, %mul3A_444 : i32
        %add3A_446 = arith.constant 1 : i32
        %add3A_447 = arith.addi %mul3A_445, %add3A_446 : i32
        %get3A_448 = arith.index_cast %add3A_447 : i32 to index
        %get3A_449 = arith.constant 64 : index
        %get3A_450 = tpu.vector_load %arg6[%get3A_448, %get3A_449] {strides = array<i32>} : memref<128x128xf32, #tpu.memory_space<vmem>>, vector<1x16xf32>,
        %get3A_451 = vector.shape_cast %get3A_450 : vector<1x16xf32> to vector<16xf32>
        %mul3A_452 = arith.constant 11.3137083 : f32
        %mul3A_453 = vector.broadcast %mul3A_452 : f32 to vector<16xf32>
        %mul3A_454 = arith.mulf %get3A_451, %mul3A_453 : vector<16xf32>
        %mul3A_455 = arith.constant 2 : i32
        %mul3A_456 = arith.muli %scan3A_205, %mul3A_455 : i32
        %add3A_457 = arith.constant 1 : i32
        %add3A_458 = arith.addi %mul3A_456, %add3A_457 : i32
        %swap3A_459 = arith.index_cast %add3A_458 : i32 to index
        %swap3A_460 = arith.constant 64 : index
        %swap3A_461 = tpu.vector_load %arg6[%swap3A_459, %swap3A_460] {strides = array<i32>} : memref<128x128xf32, #tpu.memory_space<vmem>>, vector<1x16xf32>,
        %swap3A_462 = vector.shape_cast %swap3A_461 : vector<1x16xf32> to vector<16xf32>
        %swap3A_463 = vector.shape_cast %mul3A_454 : vector<16xf32> to vector<1x16xf32>
        tpu.vector_store %arg6[%swap3A_459, %swap3A_460], %swap3A_463 {strides = array<i32>} : memref<128x128xf32, #tpu.memory_space<vmem>>, vector<1x16xf32>,
        %mul3A_464 = arith.constant 2 : i32
        %mul3A_465 = arith.muli %scan3A_205, %mul3A_464 : i32
        %add3A_466 = arith.constant 1 : i32
        %add3A_467 = arith.addi %mul3A_465, %add3A_466 : i32
        %get3A_468 = arith.index_cast %add3A_467 : i32 to index
        %get3A_469 = arith.constant 80 : index
        %get3A_470 = tpu.vector_load %arg6[%get3A_468, %get3A_469] {strides = array<i32>} : memref<128x128xf32, #tpu.memory_space<vmem>>, vector<1x16xf32>,
        %get3A_471 = vector.shape_cast %get3A_470 : vector<1x16xf32> to vector<16xf32>
        %mul3A_472 = arith.constant 11.3137083 : f32
        %mul3A_473 = vector.broadcast %mul3A_472 : f32 to vector<16xf32>
        %mul3A_474 = arith.mulf %get3A_471, %mul3A_473 : vector<16xf32>
        %mul3A_475 = arith.constant 2 : i32
        %mul3A_476 = arith.muli %scan3A_205, %mul3A_475 : i32
        %add3A_477 = arith.constant 1 : i32
        %add3A_478 = arith.addi %mul3A_476, %add3A_477 : i32
        %swap3A_479 = arith.index_cast %add3A_478 : i32 to index
        %swap3A_480 = arith.constant 80 : index
        %swap3A_481 = tpu.vector_load %arg6[%swap3A_479, %swap3A_480] {strides = array<i32>} : memref<128x128xf32, #tpu.memory_space<vmem>>, vector<1x16xf32>,
        %swap3A_482 = vector.shape_cast %swap3A_481 : vector<1x16xf32> to vector<16xf32>
        %swap3A_483 = vector.shape_cast %mul3A_474 : vector<16xf32> to vector<1x16xf32>
        tpu.vector_store %arg6[%swap3A_479, %swap3A_480], %swap3A_483 {strides = array<i32>} : memref<128x128xf32, #tpu.memory_space<vmem>>, vector<1x16xf32>,
        %mul3A_484 = arith.constant 2 : i32
        %mul3A_485 = arith.muli %scan3A_205, %mul3A_484 : i32
        %add3A_486 = arith.constant 1 : i32
        %add3A_487 = arith.addi %mul3A_485, %add3A_486 : i32
        %get3A_488 = arith.index_cast %add3A_487 : i32 to index
        %get3A_489 = arith.constant 96 : index
        %get3A_490 = tpu.vector_load %arg6[%get3A_488, %get3A_489] {strides = array<i32>} : memref<128x128xf32, #tpu.memory_space<vmem>>, vector<1x16xf32>,
        %get3A_491 = vector.shape_cast %get3A_490 : vector<1x16xf32> to vector<16xf32>
        %mul3A_492 = arith.constant 11.3137083 : f32
        %mul3A_493 = vector.broadcast %mul3A_492 : f32 to vector<16xf32>
        %mul3A_494 = arith.mulf %get3A_491, %mul3A_493 : vector<16xf32>
        %mul3A_495 = arith.constant 2 : i32
        %mul3A_496 = arith.muli %scan3A_205, %mul3A_495 : i32
        %add3A_497 = arith.constant 1 : i32
        %add3A_498 = arith.addi %mul3A_496, %add3A_497 : i32
        %swap3A_499 = arith.index_cast %add3A_498 : i32 to index
        %swap3A_500 = arith.constant 96 : index
        %swap3A_501 = tpu.vector_load %arg6[%swap3A_499, %swap3A_500] {strides = array<i32>} : memref<128x128xf32, #tpu.memory_space<vmem>>, vector<1x16xf32>,
        %swap3A_502 = vector.shape_cast %swap3A_501 : vector<1x16xf32> to vector<16xf32>
        %swap3A_503 = vector.shape_cast %mul3A_494 : vector<16xf32> to vector<1x16xf32>
        tpu.vector_store %arg6[%swap3A_499, %swap3A_500], %swap3A_503 {strides = array<i32>} : memref<128x128xf32, #tpu.memory_space<vmem>>, vector<1x16xf32>,
        %mul3A_504 = arith.constant 2 : i32
        %mul3A_505 = arith.muli %scan3A_205, %mul3A_504 : i32
        %add3A_506 = arith.constant 1 : i32
        %add3A_507 = arith.addi %mul3A_505, %add3A_506 : i32
        %get3A_508 = arith.index_cast %add3A_507 : i32 to index
        %get3A_509 = arith.constant 112 : index
        %get3A_510 = tpu.vector_load %arg6[%get3A_508, %get3A_509] {strides = array<i32>} : memref<128x128xf32, #tpu.memory_space<vmem>>, vector<1x16xf32>,
        %get3A_511 = vector.shape_cast %get3A_510 : vector<1x16xf32> to vector<16xf32>
        %mul3A_512 = arith.constant 11.3137083 : f32
        %mul3A_513 = vector.broadcast %mul3A_512 : f32 to vector<16xf32>
        %mul3A_514 = arith.mulf %get3A_511, %mul3A_513 : vector<16xf32>
        %mul3A_515 = arith.constant 2 : i32
        %mul3A_516 = arith.muli %scan3A_205, %mul3A_515 : i32
        %add3A_517 = arith.constant 1 : i32
        %add3A_518 = arith.addi %mul3A_516, %add3A_517 : i32
        %swap3A_519 = arith.index_cast %add3A_518 : i32 to index
        %swap3A_520 = arith.constant 112 : index
        %swap3A_521 = tpu.vector_load %arg6[%swap3A_519, %swap3A_520] {strides = array<i32>} : memref<128x128xf32, #tpu.memory_space<vmem>>, vector<1x16xf32>,
        %swap3A_522 = vector.shape_cast %swap3A_521 : vector<1x16xf32> to vector<16xf32>
        %swap3A_523 = vector.shape_cast %mul3A_514 : vector<16xf32> to vector<1x16xf32>
        tpu.vector_store %arg6[%swap3A_519, %swap3A_520], %swap3A_523 {strides = array<i32>} : memref<128x128xf32, #tpu.memory_space<vmem>>, vector<1x16xf32>,
      }
      %scan3A_90 = arith.constant 64 : i32
      %dma_start3A_91 = arith.constant 0 : i32
      %dma_start3A_92 = tpu.memref_slice %arg4[%add3A_74, %mul3A_2, %dma_start3A_91] : memref<50x4096x128xf32, #tpu.memory_space<hbm>> -> memref<1x128x128xf32, #tpu.memory_space<hbm>>
      %dma_start3A_93 = tpu.memref_squeeze %dma_start3A_92 : memref<1x128x128xf32, #tpu.memory_space<hbm>> -> memref<128x128xf32, #tpu.memory_space<hbm>>
      %dma_start3A_94 = arith.constant 0 : i32
      %dma_start3A_95 = tpu.memref_slice %arg4[%add3A_74, %mul3A_2, %dma_start3A_94] : memref<50x4096x128xf32, #tpu.memory_space<hbm>> -> memref<1x128x128xf32, #tpu.memory_space<hbm>>
      %dma_start3A_96 = tpu.memref_squeeze %dma_start3A_95 : memref<1x128x128xf32, #tpu.memory_space<hbm>> -> memref<128x128xf32, #tpu.memory_space<hbm>>
      tpu.enqueue_dma source(%arg6 : memref<128x128xf32, #tpu.memory_space<vmem>>) target(%dma_start3A_96 : memref<128x128xf32, #tpu.memory_space<hbm>>) target_semaphore(%arg16 : memref<!tpu.dma_semaphore, #tpu.memory_space<semaphore_mem>>)
      %add3A_97 = arith.constant 1 : i32
      %add3A_98 = arith.addi %mul3A_72, %add3A_97 : i32
      %add3A_99 = arith.constant 3 : i32
      %add3A_100 = arith.addi %add3A_98, %add3A_99 : i32
      %lt3A_101 = arith.constant 50 : i32
      %lt3A_102 = arith.cmpi slt, %add3A_100, %lt3A_101 : i32
      %convert_element_type3A_103 = arith.extui %lt3A_102 : i1 to i32
      %cond3A_104 = arith.constant 0 : i32
      %cond3A_105 = arith.cmpi ne, %convert_element_type3A_103, %cond3A_104 : i32
      scf.if %cond3A_105 {
        %ge3A = arith.constant 2 : i32
        %ge3A_205 = arith.cmpi sge, %add3A_98, %ge3A : i32
        %convert_element_type3A_206 = arith.extui %ge3A_205 : i1 to i32
        %cond3A_207 = arith.constant 0 : i32
        %cond3A_208 = arith.cmpi ne, %convert_element_type3A_206, %cond3A_207 : i32
        scf.if %cond3A_208 {
          %dma_wait3A_215 = arith.constant 0 : i32
          %dma_wait3A_216 = arith.constant 0 : i32
          %dma_wait3A_217 = arith.constant 0 : i32
          %dma_wait3A_218 = tpu.memref_slice %arg4[%dma_wait3A_215, %dma_wait3A_216, %dma_wait3A_217] : memref<50x4096x128xf32, #tpu.memory_space<hbm>> -> memref<1x128x128xf32, #tpu.memory_space<hbm>>
          %dma_wait3A_219 = tpu.memref_squeeze %dma_wait3A_218 : memref<1x128x128xf32, #tpu.memory_space<hbm>> -> memref<128x128xf32, #tpu.memory_space<hbm>>
          %dma_wait3A_220 = arith.constant 0 : i32
          %dma_wait3A_221 = arith.constant 0 : i32
          %dma_wait3A_222 = tpu.memref_slice %arg4[%dma_wait3A_215, %dma_wait3A_220, %dma_wait3A_221] : memref<50x4096x128xf32, #tpu.memory_space<hbm>> -> memref<1x128x128xf32, #tpu.memory_space<hbm>>
          %dma_wait3A_223 = tpu.memref_squeeze %dma_wait3A_222 : memref<1x128x128xf32, #tpu.memory_space<hbm>> -> memref<128x128xf32, #tpu.memory_space<hbm>>
          tpu.wait_dma2 semaphore(%arg20 : memref<!tpu.dma_semaphore, #tpu.memory_space<semaphore_mem>>) src(%arg10 : memref<128x128xf32, #tpu.memory_space<vmem>>) dst(%dma_wait3A_223 : memref<128x128xf32, #tpu.memory_space<hbm>>)
        } else {
        }
        %mul3A_209 = arith.constant 128 : i32
        %mul3A_210 = arith.muli %add3A_100, %mul3A_209 : i32
        %dma_start3A_211 = tpu.memref_slice %arg5[%mul3A_210] : memref<6400xi32, #tpu.memory_space<vmem>> -> memref<128xi32, #tpu.memory_space<vmem>>
        %dma_start3A_212 = arith.constant 0 : i32
        %dma_start3A_213 = arith.constant 0 : i32
        %dma_start3A_214 = tpu.memref_slice %arg3[%dma_start3A_212, %dma_start3A_213] : memref<100000x128xf32, #tpu.memory_space<hbm>> -> memref<100000x128xf32, #tpu.memory_space<hbm>>
        tpu.enqueue_indirect_dma source(%dma_start3A_214 : memref<100000x128xf32, #tpu.memory_space<hbm>>) target(%arg10 : memref<128x128xf32, #tpu.memory_space<vmem>>) offsets(%dma_start3A_211 : memref<128xi32, #tpu.memory_space<vmem>>) semaphore(%arg15 : memref<!tpu.dma_semaphore, #tpu.memory_space<semaphore_mem>>)
      } else {
      }
      %dma_wait3A_106 = arith.constant 0 : i32
      %dma_wait3A_107 = arith.constant 0 : i32
      %dma_wait3A_108 = tpu.memref_slice %arg3[%dma_wait3A_106, %dma_wait3A_107] : memref<100000x128xf32, #tpu.memory_space<hbm>> -> memref<128x128xf32, #tpu.memory_space<hbm>>
      %dma_wait3A_109 = arith.constant 0 : i32
      %dma_wait3A_110 = arith.constant 0 : i32
      %dma_wait3A_111 = tpu.memref_slice %arg3[%dma_wait3A_109, %dma_wait3A_110] : memref<100000x128xf32, #tpu.memory_space<hbm>> -> memref<128x128xf32, #tpu.memory_space<hbm>>
      tpu.wait_dma2 semaphore(%arg12 : memref<!tpu.dma_semaphore, #tpu.memory_space<semaphore_mem>>) src(%dma_wait3A_111 : memref<128x128xf32, #tpu.memory_space<hbm>>) dst(%arg7 : memref<128x128xf32, #tpu.memory_space<vmem>>)
      %scan3A_112 = arith.constant 0 : i32
      %scan3A_113 = arith.constant 0 : i32
      %scan3A_114 = arith.constant 64 : i32
      %scan3A_115 = arith.addi %scan3A_113, %scan3A_114 : i32
      %scan3A_116 = arith.constant 1 : i32
      scf.for %scan3A_205 = %scan3A_113 to %scan3A_115 step %scan3A_116  : i32 {
        %mul3A_206 = arith.constant 2 : i32
        %mul3A_207 = arith.muli %scan3A_205, %mul3A_206 : i32
        %add3A_208 = arith.constant 0 : i32
        %add3A_209 = arith.addi %mul3A_207, %add3A_208 : i32
        %get3A = arith.index_cast %add3A_209 : i32 to index
        %get3A_210 = arith.constant 0 : index
        %get3A_211 = tpu.vector_load %arg7[%get3A, %get3A_210] {strides = array<i32>} : memref<128x128xf32, #tpu.memory_space<vmem>>, vector<1x16xf32>,
        %get3A_212 = vector.shape_cast %get3A_211 : vector<1x16xf32> to vector<16xf32>
        %mul3A_213 = arith.constant 11.3137083 : f32
        %mul3A_214 = vector.broadcast %mul3A_213 : f32 to vector<16xf32>
        %mul3A_215 = arith.mulf %get3A_212, %mul3A_214 : vector<16xf32>
        %mul3A_216 = arith.constant 2 : i32
        %mul3A_217 = arith.muli %scan3A_205, %mul3A_216 : i32
        %add3A_218 = arith.constant 0 : i32
        %add3A_219 = arith.addi %mul3A_217, %add3A_218 : i32
        %swap3A = arith.index_cast %add3A_219 : i32 to index
        %swap3A_220 = arith.constant 0 : index
        %swap3A_221 = tpu.vector_load %arg7[%swap3A, %swap3A_220] {strides = array<i32>} : memref<128x128xf32, #tpu.memory_space<vmem>>, vector<1x16xf32>,
        %swap3A_222 = vector.shape_cast %swap3A_221 : vector<1x16xf32> to vector<16xf32>
        %swap3A_223 = vector.shape_cast %mul3A_215 : vector<16xf32> to vector<1x16xf32>
        tpu.vector_store %arg7[%swap3A, %swap3A_220], %swap3A_223 {strides = array<i32>} : memref<128x128xf32, #tpu.memory_space<vmem>>, vector<1x16xf32>,
        %mul3A_224 = arith.constant 2 : i32
        %mul3A_225 = arith.muli %scan3A_205, %mul3A_224 : i32
        %add3A_226 = arith.constant 0 : i32
        %add3A_227 = arith.addi %mul3A_225, %add3A_226 : i32
        %get3A_228 = arith.index_cast %add3A_227 : i32 to index
        %get3A_229 = arith.constant 16 : index
        %get3A_230 = tpu.vector_load %arg7[%get3A_228, %get3A_229] {strides = array<i32>} : memref<128x128xf32, #tpu.memory_space<vmem>>, vector<1x16xf32>,
        %get3A_231 = vector.shape_cast %get3A_230 : vector<1x16xf32> to vector<16xf32>
        %mul3A_232 = arith.constant 11.3137083 : f32
        %mul3A_233 = vector.broadcast %mul3A_232 : f32 to vector<16xf32>
        %mul3A_234 = arith.mulf %get3A_231, %mul3A_233 : vector<16xf32>
        %mul3A_235 = arith.constant 2 : i32
        %mul3A_236 = arith.muli %scan3A_205, %mul3A_235 : i32
        %add3A_237 = arith.constant 0 : i32
        %add3A_238 = arith.addi %mul3A_236, %add3A_237 : i32
        %swap3A_239 = arith.index_cast %add3A_238 : i32 to index
        %swap3A_240 = arith.constant 16 : index
        %swap3A_241 = tpu.vector_load %arg7[%swap3A_239, %swap3A_240] {strides = array<i32>} : memref<128x128xf32, #tpu.memory_space<vmem>>, vector<1x16xf32>,
        %swap3A_242 = vector.shape_cast %swap3A_241 : vector<1x16xf32> to vector<16xf32>
        %swap3A_243 = vector.shape_cast %mul3A_234 : vector<16xf32> to vector<1x16xf32>
        tpu.vector_store %arg7[%swap3A_239, %swap3A_240], %swap3A_243 {strides = array<i32>} : memref<128x128xf32, #tpu.memory_space<vmem>>, vector<1x16xf32>,
        %mul3A_244 = arith.constant 2 : i32
        %mul3A_245 = arith.muli %scan3A_205, %mul3A_244 : i32
        %add3A_246 = arith.constant 0 : i32
        %add3A_247 = arith.addi %mul3A_245, %add3A_246 : i32
        %get3A_248 = arith.index_cast %add3A_247 : i32 to index
        %get3A_249 = arith.constant 32 : index
        %get3A_250 = tpu.vector_load %arg7[%get3A_248, %get3A_249] {strides = array<i32>} : memref<128x128xf32, #tpu.memory_space<vmem>>, vector<1x16xf32>,
        %get3A_251 = vector.shape_cast %get3A_250 : vector<1x16xf32> to vector<16xf32>
        %mul3A_252 = arith.constant 11.3137083 : f32
        %mul3A_253 = vector.broadcast %mul3A_252 : f32 to vector<16xf32>
        %mul3A_254 = arith.mulf %get3A_251, %mul3A_253 : vector<16xf32>
        %mul3A_255 = arith.constant 2 : i32
        %mul3A_256 = arith.muli %scan3A_205, %mul3A_255 : i32
        %add3A_257 = arith.constant 0 : i32
        %add3A_258 = arith.addi %mul3A_256, %add3A_257 : i32
        %swap3A_259 = arith.index_cast %add3A_258 : i32 to index
        %swap3A_260 = arith.constant 32 : index
        %swap3A_261 = tpu.vector_load %arg7[%swap3A_259, %swap3A_260] {strides = array<i32>} : memref<128x128xf32, #tpu.memory_space<vmem>>, vector<1x16xf32>,
        %swap3A_262 = vector.shape_cast %swap3A_261 : vector<1x16xf32> to vector<16xf32>
        %swap3A_263 = vector.shape_cast %mul3A_254 : vector<16xf32> to vector<1x16xf32>
        tpu.vector_store %arg7[%swap3A_259, %swap3A_260], %swap3A_263 {strides = array<i32>} : memref<128x128xf32, #tpu.memory_space<vmem>>, vector<1x16xf32>,
        %mul3A_264 = arith.constant 2 : i32
        %mul3A_265 = arith.muli %scan3A_205, %mul3A_264 : i32
        %add3A_266 = arith.constant 0 : i32
        %add3A_267 = arith.addi %mul3A_265, %add3A_266 : i32
        %get3A_268 = arith.index_cast %add3A_267 : i32 to index
        %get3A_269 = arith.constant 48 : index
        %get3A_270 = tpu.vector_load %arg7[%get3A_268, %get3A_269] {strides = array<i32>} : memref<128x128xf32, #tpu.memory_space<vmem>>, vector<1x16xf32>,
        %get3A_271 = vector.shape_cast %get3A_270 : vector<1x16xf32> to vector<16xf32>
        %mul3A_272 = arith.constant 11.3137083 : f32
        %mul3A_273 = vector.broadcast %mul3A_272 : f32 to vector<16xf32>
        %mul3A_274 = arith.mulf %get3A_271, %mul3A_273 : vector<16xf32>
        %mul3A_275 = arith.constant 2 : i32
        %mul3A_276 = arith.muli %scan3A_205, %mul3A_275 : i32
        %add3A_277 = arith.constant 0 : i32
        %add3A_278 = arith.addi %mul3A_276, %add3A_277 : i32
        %swap3A_279 = arith.index_cast %add3A_278 : i32 to index
        %swap3A_280 = arith.constant 48 : index
        %swap3A_281 = tpu.vector_load %arg7[%swap3A_279, %swap3A_280] {strides = array<i32>} : memref<128x128xf32, #tpu.memory_space<vmem>>, vector<1x16xf32>,
        %swap3A_282 = vector.shape_cast %swap3A_281 : vector<1x16xf32> to vector<16xf32>
        %swap3A_283 = vector.shape_cast %mul3A_274 : vector<16xf32> to vector<1x16xf32>
        tpu.vector_store %arg7[%swap3A_279, %swap3A_280], %swap3A_283 {strides = array<i32>} : memref<128x128xf32, #tpu.memory_space<vmem>>, vector<1x16xf32>,
        %mul3A_284 = arith.constant 2 : i32
        %mul3A_285 = arith.muli %scan3A_205, %mul3A_284 : i32
        %add3A_286 = arith.constant 0 : i32
        %add3A_287 = arith.addi %mul3A_285, %add3A_286 : i32
        %get3A_288 = arith.index_cast %add3A_287 : i32 to index
        %get3A_289 = arith.constant 64 : index
        %get3A_290 = tpu.vector_load %arg7[%get3A_288, %get3A_289] {strides = array<i32>} : memref<128x128xf32, #tpu.memory_space<vmem>>, vector<1x16xf32>,
        %get3A_291 = vector.shape_cast %get3A_290 : vector<1x16xf32> to vector<16xf32>
        %mul3A_292 = arith.constant 11.3137083 : f32
        %mul3A_293 = vector.broadcast %mul3A_292 : f32 to vector<16xf32>
        %mul3A_294 = arith.mulf %get3A_291, %mul3A_293 : vector<16xf32>
        %mul3A_295 = arith.constant 2 : i32
        %mul3A_296 = arith.muli %scan3A_205, %mul3A_295 : i32
        %add3A_297 = arith.constant 0 : i32
        %add3A_298 = arith.addi %mul3A_296, %add3A_297 : i32
        %swap3A_299 = arith.index_cast %add3A_298 : i32 to index
        %swap3A_300 = arith.constant 64 : index
        %swap3A_301 = tpu.vector_load %arg7[%swap3A_299, %swap3A_300] {strides = array<i32>} : memref<128x128xf32, #tpu.memory_space<vmem>>, vector<1x16xf32>,
        %swap3A_302 = vector.shape_cast %swap3A_301 : vector<1x16xf32> to vector<16xf32>
        %swap3A_303 = vector.shape_cast %mul3A_294 : vector<16xf32> to vector<1x16xf32>
        tpu.vector_store %arg7[%swap3A_299, %swap3A_300], %swap3A_303 {strides = array<i32>} : memref<128x128xf32, #tpu.memory_space<vmem>>, vector<1x16xf32>,
        %mul3A_304 = arith.constant 2 : i32
        %mul3A_305 = arith.muli %scan3A_205, %mul3A_304 : i32
        %add3A_306 = arith.constant 0 : i32
        %add3A_307 = arith.addi %mul3A_305, %add3A_306 : i32
        %get3A_308 = arith.index_cast %add3A_307 : i32 to index
        %get3A_309 = arith.constant 80 : index
        %get3A_310 = tpu.vector_load %arg7[%get3A_308, %get3A_309] {strides = array<i32>} : memref<128x128xf32, #tpu.memory_space<vmem>>, vector<1x16xf32>,
        %get3A_311 = vector.shape_cast %get3A_310 : vector<1x16xf32> to vector<16xf32>
        %mul3A_312 = arith.constant 11.3137083 : f32
        %mul3A_313 = vector.broadcast %mul3A_312 : f32 to vector<16xf32>
        %mul3A_314 = arith.mulf %get3A_311, %mul3A_313 : vector<16xf32>
        %mul3A_315 = arith.constant 2 : i32
        %mul3A_316 = arith.muli %scan3A_205, %mul3A_315 : i32
        %add3A_317 = arith.constant 0 : i32
        %add3A_318 = arith.addi %mul3A_316, %add3A_317 : i32
        %swap3A_319 = arith.index_cast %add3A_318 : i32 to index
        %swap3A_320 = arith.constant 80 : index
        %swap3A_321 = tpu.vector_load %arg7[%swap3A_319, %swap3A_320] {strides = array<i32>} : memref<128x128xf32, #tpu.memory_space<vmem>>, vector<1x16xf32>,
        %swap3A_322 = vector.shape_cast %swap3A_321 : vector<1x16xf32> to vector<16xf32>
        %swap3A_323 = vector.shape_cast %mul3A_314 : vector<16xf32> to vector<1x16xf32>
        tpu.vector_store %arg7[%swap3A_319, %swap3A_320], %swap3A_323 {strides = array<i32>} : memref<128x128xf32, #tpu.memory_space<vmem>>, vector<1x16xf32>,
        %mul3A_324 = arith.constant 2 : i32
        %mul3A_325 = arith.muli %scan3A_205, %mul3A_324 : i32
        %add3A_326 = arith.constant 0 : i32
        %add3A_327 = arith.addi %mul3A_325, %add3A_326 : i32
        %get3A_328 = arith.index_cast %add3A_327 : i32 to index
        %get3A_329 = arith.constant 96 : index
        %get3A_330 = tpu.vector_load %arg7[%get3A_328, %get3A_329] {strides = array<i32>} : memref<128x128xf32, #tpu.memory_space<vmem>>, vector<1x16xf32>,
        %get3A_331 = vector.shape_cast %get3A_330 : vector<1x16xf32> to vector<16xf32>
        %mul3A_332 = arith.constant 11.3137083 : f32
        %mul3A_333 = vector.broadcast %mul3A_332 : f32 to vector<16xf32>
        %mul3A_334 = arith.mulf %get3A_331, %mul3A_333 : vector<16xf32>
        %mul3A_335 = arith.constant 2 : i32
        %mul3A_336 = arith.muli %scan3A_205, %mul3A_335 : i32
        %add3A_337 = arith.constant 0 : i32
        %add3A_338 = arith.addi %mul3A_336, %add3A_337 : i32
        %swap3A_339 = arith.index_cast %add3A_338 : i32 to index
        %swap3A_340 = arith.constant 96 : index
        %swap3A_341 = tpu.vector_load %arg7[%swap3A_339, %swap3A_340] {strides = array<i32>} : memref<128x128xf32, #tpu.memory_space<vmem>>, vector<1x16xf32>,
        %swap3A_342 = vector.shape_cast %swap3A_341 : vector<1x16xf32> to vector<16xf32>
        %swap3A_343 = vector.shape_cast %mul3A_334 : vector<16xf32> to vector<1x16xf32>
        tpu.vector_store %arg7[%swap3A_339, %swap3A_340], %swap3A_343 {strides = array<i32>} : memref<128x128xf32, #tpu.memory_space<vmem>>, vector<1x16xf32>,
        %mul3A_344 = arith.constant 2 : i32
        %mul3A_345 = arith.muli %scan3A_205, %mul3A_344 : i32
        %add3A_346 = arith.constant 0 : i32
        %add3A_347 = arith.addi %mul3A_345, %add3A_346 : i32
        %get3A_348 = arith.index_cast %add3A_347 : i32 to index
        %get3A_349 = arith.constant 112 : index
        %get3A_350 = tpu.vector_load %arg7[%get3A_348, %get3A_349] {strides = array<i32>} : memref<128x128xf32, #tpu.memory_space<vmem>>, vector<1x16xf32>,
        %get3A_351 = vector.shape_cast %get3A_350 : vector<1x16xf32> to vector<16xf32>
        %mul3A_352 = arith.constant 11.3137083 : f32
        %mul3A_353 = vector.broadcast %mul3A_352 : f32 to vector<16xf32>
        %mul3A_354 = arith.mulf %get3A_351, %mul3A_353 : vector<16xf32>
        %mul3A_355 = arith.constant 2 : i32
        %mul3A_356 = arith.muli %scan3A_205, %mul3A_355 : i32
        %add3A_357 = arith.constant 0 : i32
        %add3A_358 = arith.addi %mul3A_356, %add3A_357 : i32
        %swap3A_359 = arith.index_cast %add3A_358 : i32 to index
        %swap3A_360 = arith.constant 112 : index
        %swap3A_361 = tpu.vector_load %arg7[%swap3A_359, %swap3A_360] {strides = array<i32>} : memref<128x128xf32, #tpu.memory_space<vmem>>, vector<1x16xf32>,
        %swap3A_362 = vector.shape_cast %swap3A_361 : vector<1x16xf32> to vector<16xf32>
        %swap3A_363 = vector.shape_cast %mul3A_354 : vector<16xf32> to vector<1x16xf32>
        tpu.vector_store %arg7[%swap3A_359, %swap3A_360], %swap3A_363 {strides = array<i32>} : memref<128x128xf32, #tpu.memory_space<vmem>>, vector<1x16xf32>,
        %mul3A_364 = arith.constant 2 : i32
        %mul3A_365 = arith.muli %scan3A_205, %mul3A_364 : i32
        %add3A_366 = arith.constant 1 : i32
        %add3A_367 = arith.addi %mul3A_365, %add3A_366 : i32
        %get3A_368 = arith.index_cast %add3A_367 : i32 to index
        %get3A_369 = arith.constant 0 : index
        %get3A_370 = tpu.vector_load %arg7[%get3A_368, %get3A_369] {strides = array<i32>} : memref<128x128xf32, #tpu.memory_space<vmem>>, vector<1x16xf32>,
        %get3A_371 = vector.shape_cast %get3A_370 : vector<1x16xf32> to vector<16xf32>
        %mul3A_372 = arith.constant 11.3137083 : f32
        %mul3A_373 = vector.broadcast %mul3A_372 : f32 to vector<16xf32>
        %mul3A_374 = arith.mulf %get3A_371, %mul3A_373 : vector<16xf32>
        %mul3A_375 = arith.constant 2 : i32
        %mul3A_376 = arith.muli %scan3A_205, %mul3A_375 : i32
        %add3A_377 = arith.constant 1 : i32
        %add3A_378 = arith.addi %mul3A_376, %add3A_377 : i32
        %swap3A_379 = arith.index_cast %add3A_378 : i32 to index
        %swap3A_380 = arith.constant 0 : index
        %swap3A_381 = tpu.vector_load %arg7[%swap3A_379, %swap3A_380] {strides = array<i32>} : memref<128x128xf32, #tpu.memory_space<vmem>>, vector<1x16xf32>,
        %swap3A_382 = vector.shape_cast %swap3A_381 : vector<1x16xf32> to vector<16xf32>
        %swap3A_383 = vector.shape_cast %mul3A_374 : vector<16xf32> to vector<1x16xf32>
        tpu.vector_store %arg7[%swap3A_379, %swap3A_380], %swap3A_383 {strides = array<i32>} : memref<128x128xf32, #tpu.memory_space<vmem>>, vector<1x16xf32>,
        %mul3A_384 = arith.constant 2 : i32
        %mul3A_385 = arith.muli %scan3A_205, %mul3A_384 : i32
        %add3A_386 = arith.constant 1 : i32
        %add3A_387 = arith.addi %mul3A_385, %add3A_386 : i32
        %get3A_388 = arith.index_cast %add3A_387 : i32 to index
        %get3A_389 = arith.constant 16 : index
        %get3A_390 = tpu.vector_load %arg7[%get3A_388, %get3A_389] {strides = array<i32>} : memref<128x128xf32, #tpu.memory_space<vmem>>, vector<1x16xf32>,
        %get3A_391 = vector.shape_cast %get3A_390 : vector<1x16xf32> to vector<16xf32>
        %mul3A_392 = arith.constant 11.3137083 : f32
        %mul3A_393 = vector.broadcast %mul3A_392 : f32 to vector<16xf32>
        %mul3A_394 = arith.mulf %get3A_391, %mul3A_393 : vector<16xf32>
        %mul3A_395 = arith.constant 2 : i32
        %mul3A_396 = arith.muli %scan3A_205, %mul3A_395 : i32
        %add3A_397 = arith.constant 1 : i32
        %add3A_398 = arith.addi %mul3A_396, %add3A_397 : i32
        %swap3A_399 = arith.index_cast %add3A_398 : i32 to index
        %swap3A_400 = arith.constant 16 : index
        %swap3A_401 = tpu.vector_load %arg7[%swap3A_399, %swap3A_400] {strides = array<i32>} : memref<128x128xf32, #tpu.memory_space<vmem>>, vector<1x16xf32>,
        %swap3A_402 = vector.shape_cast %swap3A_401 : vector<1x16xf32> to vector<16xf32>
        %swap3A_403 = vector.shape_cast %mul3A_394 : vector<16xf32> to vector<1x16xf32>
        tpu.vector_store %arg7[%swap3A_399, %swap3A_400], %swap3A_403 {strides = array<i32>} : memref<128x128xf32, #tpu.memory_space<vmem>>, vector<1x16xf32>,
        %mul3A_404 = arith.constant 2 : i32
        %mul3A_405 = arith.muli %scan3A_205, %mul3A_404 : i32
        %add3A_406 = arith.constant 1 : i32
        %add3A_407 = arith.addi %mul3A_405, %add3A_406 : i32
        %get3A_408 = arith.index_cast %add3A_407 : i32 to index
        %get3A_409 = arith.constant 32 : index
        %get3A_410 = tpu.vector_load %arg7[%get3A_408, %get3A_409] {strides = array<i32>} : memref<128x128xf32, #tpu.memory_space<vmem>>, vector<1x16xf32>,
        %get3A_411 = vector.shape_cast %get3A_410 : vector<1x16xf32> to vector<16xf32>
        %mul3A_412 = arith.constant 11.3137083 : f32
        %mul3A_413 = vector.broadcast %mul3A_412 : f32 to vector<16xf32>
        %mul3A_414 = arith.mulf %get3A_411, %mul3A_413 : vector<16xf32>
        %mul3A_415 = arith.constant 2 : i32
        %mul3A_416 = arith.muli %scan3A_205, %mul3A_415 : i32
        %add3A_417 = arith.constant 1 : i32
        %add3A_418 = arith.addi %mul3A_416, %add3A_417 : i32
        %swap3A_419 = arith.index_cast %add3A_418 : i32 to index
        %swap3A_420 = arith.constant 32 : index
        %swap3A_421 = tpu.vector_load %arg7[%swap3A_419, %swap3A_420] {strides = array<i32>} : memref<128x128xf32, #tpu.memory_space<vmem>>, vector<1x16xf32>,
        %swap3A_422 = vector.shape_cast %swap3A_421 : vector<1x16xf32> to vector<16xf32>
        %swap3A_423 = vector.shape_cast %mul3A_414 : vector<16xf32> to vector<1x16xf32>
        tpu.vector_store %arg7[%swap3A_419, %swap3A_420], %swap3A_423 {strides = array<i32>} : memref<128x128xf32, #tpu.memory_space<vmem>>, vector<1x16xf32>,
        %mul3A_424 = arith.constant 2 : i32
        %mul3A_425 = arith.muli %scan3A_205, %mul3A_424 : i32
        %add3A_426 = arith.constant 1 : i32
        %add3A_427 = arith.addi %mul3A_425, %add3A_426 : i32
        %get3A_428 = arith.index_cast %add3A_427 : i32 to index
        %get3A_429 = arith.constant 48 : index
        %get3A_430 = tpu.vector_load %arg7[%get3A_428, %get3A_429] {strides = array<i32>} : memref<128x128xf32, #tpu.memory_space<vmem>>, vector<1x16xf32>,
        %get3A_431 = vector.shape_cast %get3A_430 : vector<1x16xf32> to vector<16xf32>
        %mul3A_432 = arith.constant 11.3137083 : f32
        %mul3A_433 = vector.broadcast %mul3A_432 : f32 to vector<16xf32>
        %mul3A_434 = arith.mulf %get3A_431, %mul3A_433 : vector<16xf32>
        %mul3A_435 = arith.constant 2 : i32
        %mul3A_436 = arith.muli %scan3A_205, %mul3A_435 : i32
        %add3A_437 = arith.constant 1 : i32
        %add3A_438 = arith.addi %mul3A_436, %add3A_437 : i32
        %swap3A_439 = arith.index_cast %add3A_438 : i32 to index
        %swap3A_440 = arith.constant 48 : index
        %swap3A_441 = tpu.vector_load %arg7[%swap3A_439, %swap3A_440] {strides = array<i32>} : memref<128x128xf32, #tpu.memory_space<vmem>>, vector<1x16xf32>,
        %swap3A_442 = vector.shape_cast %swap3A_441 : vector<1x16xf32> to vector<16xf32>
        %swap3A_443 = vector.shape_cast %mul3A_434 : vector<16xf32> to vector<1x16xf32>
        tpu.vector_store %arg7[%swap3A_439, %swap3A_440], %swap3A_443 {strides = array<i32>} : memref<128x128xf32, #tpu.memory_space<vmem>>, vector<1x16xf32>,
        %mul3A_444 = arith.constant 2 : i32
        %mul3A_445 = arith.muli %scan3A_205, %mul3A_444 : i32
        %add3A_446 = arith.constant 1 : i32
        %add3A_447 = arith.addi %mul3A_445, %add3A_446 : i32
        %get3A_448 = arith.index_cast %add3A_447 : i32 to index
        %get3A_449 = arith.constant 64 : index
        %get3A_450 = tpu.vector_load %arg7[%get3A_448, %get3A_449] {strides = array<i32>} : memref<128x128xf32, #tpu.memory_space<vmem>>, vector<1x16xf32>,
        %get3A_451 = vector.shape_cast %get3A_450 : vector<1x16xf32> to vector<16xf32>
        %mul3A_452 = arith.constant 11.3137083 : f32
        %mul3A_453 = vector.broadcast %mul3A_452 : f32 to vector<16xf32>
        %mul3A_454 = arith.mulf %get3A_451, %mul3A_453 : vector<16xf32>
        %mul3A_455 = arith.constant 2 : i32
        %mul3A_456 = arith.muli %scan3A_205, %mul3A_455 : i32
        %add3A_457 = arith.constant 1 : i32
        %add3A_458 = arith.addi %mul3A_456, %add3A_457 : i32
        %swap3A_459 = arith.index_cast %add3A_458 : i32 to index
        %swap3A_460 = arith.constant 64 : index
        %swap3A_461 = tpu.vector_load %arg7[%swap3A_459, %swap3A_460] {strides = array<i32>} : memref<128x128xf32, #tpu.memory_space<vmem>>, vector<1x16xf32>,
        %swap3A_462 = vector.shape_cast %swap3A_461 : vector<1x16xf32> to vector<16xf32>
        %swap3A_463 = vector.shape_cast %mul3A_454 : vector<16xf32> to vector<1x16xf32>
        tpu.vector_store %arg7[%swap3A_459, %swap3A_460], %swap3A_463 {strides = array<i32>} : memref<128x128xf32, #tpu.memory_space<vmem>>, vector<1x16xf32>,
        %mul3A_464 = arith.constant 2 : i32
        %mul3A_465 = arith.muli %scan3A_205, %mul3A_464 : i32
        %add3A_466 = arith.constant 1 : i32
        %add3A_467 = arith.addi %mul3A_465, %add3A_466 : i32
        %get3A_468 = arith.index_cast %add3A_467 : i32 to index
        %get3A_469 = arith.constant 80 : index
        %get3A_470 = tpu.vector_load %arg7[%get3A_468, %get3A_469] {strides = array<i32>} : memref<128x128xf32, #tpu.memory_space<vmem>>, vector<1x16xf32>,
        %get3A_471 = vector.shape_cast %get3A_470 : vector<1x16xf32> to vector<16xf32>
        %mul3A_472 = arith.constant 11.3137083 : f32
        %mul3A_473 = vector.broadcast %mul3A_472 : f32 to vector<16xf32>
        %mul3A_474 = arith.mulf %get3A_471, %mul3A_473 : vector<16xf32>
        %mul3A_475 = arith.constant 2 : i32
        %mul3A_476 = arith.muli %scan3A_205, %mul3A_475 : i32
        %add3A_477 = arith.constant 1 : i32
        %add3A_478 = arith.addi %mul3A_476, %add3A_477 : i32
        %swap3A_479 = arith.index_cast %add3A_478 : i32 to index
        %swap3A_480 = arith.constant 80 : index
        %swap3A_481 = tpu.vector_load %arg7[%swap3A_479, %swap3A_480] {strides = array<i32>} : memref<128x128xf32, #tpu.memory_space<vmem>>, vector<1x16xf32>,
        %swap3A_482 = vector.shape_cast %swap3A_481 : vector<1x16xf32> to vector<16xf32>
        %swap3A_483 = vector.shape_cast %mul3A_474 : vector<16xf32> to vector<1x16xf32>
        tpu.vector_store %arg7[%swap3A_479, %swap3A_480], %swap3A_483 {strides = array<i32>} : memref<128x128xf32, #tpu.memory_space<vmem>>, vector<1x16xf32>,
        %mul3A_484 = arith.constant 2 : i32
        %mul3A_485 = arith.muli %scan3A_205, %mul3A_484 : i32
        %add3A_486 = arith.constant 1 : i32
        %add3A_487 = arith.addi %mul3A_485, %add3A_486 : i32
        %get3A_488 = arith.index_cast %add3A_487 : i32 to index
        %get3A_489 = arith.constant 96 : index
        %get3A_490 = tpu.vector_load %arg7[%get3A_488, %get3A_489] {strides = array<i32>} : memref<128x128xf32, #tpu.memory_space<vmem>>, vector<1x16xf32>,
        %get3A_491 = vector.shape_cast %get3A_490 : vector<1x16xf32> to vector<16xf32>
        %mul3A_492 = arith.constant 11.3137083 : f32
        %mul3A_493 = vector.broadcast %mul3A_492 : f32 to vector<16xf32>
        %mul3A_494 = arith.mulf %get3A_491, %mul3A_493 : vector<16xf32>
        %mul3A_495 = arith.constant 2 : i32
        %mul3A_496 = arith.muli %scan3A_205, %mul3A_495 : i32
        %add3A_497 = arith.constant 1 : i32
        %add3A_498 = arith.addi %mul3A_496, %add3A_497 : i32
        %swap3A_499 = arith.index_cast %add3A_498 : i32 to index
        %swap3A_500 = arith.constant 96 : index
        %swap3A_501 = tpu.vector_load %arg7[%swap3A_499, %swap3A_500] {strides = array<i32>} : memref<128x128xf32, #tpu.memory_space<vmem>>, vector<1x16xf32>,
        %swap3A_502 = vector.shape_cast %swap3A_501 : vector<1x16xf32> to vector<16xf32>
        %swap3A_503 = vector.shape_cast %mul3A_494 : vector<16xf32> to vector<1x16xf32>
        tpu.vector_store %arg7[%swap3A_499, %swap3A_500], %swap3A_503 {strides = array<i32>} : memref<128x128xf32, #tpu.memory_space<vmem>>, vector<1x16xf32>,
        %mul3A_504 = arith.constant 2 : i32
        %mul3A_505 = arith.muli %scan3A_205, %mul3A_504 : i32
        %add3A_506 = arith.constant 1 : i32
        %add3A_507 = arith.addi %mul3A_505, %add3A_506 : i32
        %get3A_508 = arith.index_cast %add3A_507 : i32 to index
        %get3A_509 = arith.constant 112 : index
        %get3A_510 = tpu.vector_load %arg7[%get3A_508, %get3A_509] {strides = array<i32>} : memref<128x128xf32, #tpu.memory_space<vmem>>, vector<1x16xf32>,
        %get3A_511 = vector.shape_cast %get3A_510 : vector<1x16xf32> to vector<16xf32>
        %mul3A_512 = arith.constant 11.3137083 : f32
        %mul3A_513 = vector.broadcast %mul3A_512 : f32 to vector<16xf32>
        %mul3A_514 = arith.mulf %get3A_511, %mul3A_513 : vector<16xf32>
        %mul3A_515 = arith.constant 2 : i32
        %mul3A_516 = arith.muli %scan3A_205, %mul3A_515 : i32
        %add3A_517 = arith.constant 1 : i32
        %add3A_518 = arith.addi %mul3A_516, %add3A_517 : i32
        %swap3A_519 = arith.index_cast %add3A_518 : i32 to index
        %swap3A_520 = arith.constant 112 : index
        %swap3A_521 = tpu.vector_load %arg7[%swap3A_519, %swap3A_520] {strides = array<i32>} : memref<128x128xf32, #tpu.memory_space<vmem>>, vector<1x16xf32>,
        %swap3A_522 = vector.shape_cast %swap3A_521 : vector<1x16xf32> to vector<16xf32>
        %swap3A_523 = vector.shape_cast %mul3A_514 : vector<16xf32> to vector<1x16xf32>
        tpu.vector_store %arg7[%swap3A_519, %swap3A_520], %swap3A_523 {strides = array<i32>} : memref<128x128xf32, #tpu.memory_space<vmem>>, vector<1x16xf32>,
      }
      %scan3A_117 = arith.constant 64 : i32
      %dma_start3A_118 = arith.constant 0 : i32
      %dma_start3A_119 = tpu.memref_slice %arg4[%add3A_98, %mul3A_2, %dma_start3A_118] : memref<50x4096x128xf32, #tpu.memory_space<hbm>> -> memref<1x128x128xf32, #tpu.memory_space<hbm>>
      %dma_start3A_120 = tpu.memref_squeeze %dma_start3A_119 : memref<1x128x128xf32, #tpu.memory_space<hbm>> -> memref<128x128xf32, #tpu.memory_space<hbm>>
      %dma_start3A_121 = arith.constant 0 : i32
      %dma_start3A_122 = tpu.memref_slice %arg4[%add3A_98, %mul3A_2, %dma_start3A_121] : memref<50x4096x128xf32, #tpu.memory_space<hbm>> -> memref<1x128x128xf32, #tpu.memory_space<hbm>>
      %dma_start3A_123 = tpu.memref_squeeze %dma_start3A_122 : memref<1x128x128xf32, #tpu.memory_space<hbm>> -> memref<128x128xf32, #tpu.memory_space<hbm>>
      tpu.enqueue_dma source(%arg7 : memref<128x128xf32, #tpu.memory_space<vmem>>) target(%dma_start3A_123 : memref<128x128xf32, #tpu.memory_space<hbm>>) target_semaphore(%arg17 : memref<!tpu.dma_semaphore, #tpu.memory_space<semaphore_mem>>)
      %add3A_124 = arith.constant 2 : i32
      %add3A_125 = arith.addi %mul3A_72, %add3A_124 : i32
      %add3A_126 = arith.constant 3 : i32
      %add3A_127 = arith.addi %add3A_125, %add3A_126 : i32
      %lt3A_128 = arith.constant 50 : i32
      %lt3A_129 = arith.cmpi slt, %add3A_127, %lt3A_128 : i32
      %convert_element_type3A_130 = arith.extui %lt3A_129 : i1 to i32
      %cond3A_131 = arith.constant 0 : i32
      %cond3A_132 = arith.cmpi ne, %convert_element_type3A_130, %cond3A_131 : i32
      scf.if %cond3A_132 {
        %ge3A = arith.constant 2 : i32
        %ge3A_205 = arith.cmpi sge, %add3A_125, %ge3A : i32
        %convert_element_type3A_206 = arith.extui %ge3A_205 : i1 to i32
        %cond3A_207 = arith.constant 0 : i32
        %cond3A_208 = arith.cmpi ne, %convert_element_type3A_206, %cond3A_207 : i32
        scf.if %cond3A_208 {
          %dma_wait3A_215 = arith.constant 0 : i32
          %dma_wait3A_216 = arith.constant 0 : i32
          %dma_wait3A_217 = arith.constant 0 : i32
          %dma_wait3A_218 = tpu.memref_slice %arg4[%dma_wait3A_215, %dma_wait3A_216, %dma_wait3A_217] : memref<50x4096x128xf32, #tpu.memory_space<hbm>> -> memref<1x128x128xf32, #tpu.memory_space<hbm>>
          %dma_wait3A_219 = tpu.memref_squeeze %dma_wait3A_218 : memref<1x128x128xf32, #tpu.memory_space<hbm>> -> memref<128x128xf32, #tpu.memory_space<hbm>>
          %dma_wait3A_220 = arith.constant 0 : i32
          %dma_wait3A_221 = arith.constant 0 : i32
          %dma_wait3A_222 = tpu.memref_slice %arg4[%dma_wait3A_215, %dma_wait3A_220, %dma_wait3A_221] : memref<50x4096x128xf32, #tpu.memory_space<hbm>> -> memref<1x128x128xf32, #tpu.memory_space<hbm>>
          %dma_wait3A_223 = tpu.memref_squeeze %dma_wait3A_222 : memref<1x128x128xf32, #tpu.memory_space<hbm>> -> memref<128x128xf32, #tpu.memory_space<hbm>>
          tpu.wait_dma2 semaphore(%arg16 : memref<!tpu.dma_semaphore, #tpu.memory_space<semaphore_mem>>) src(%arg6 : memref<128x128xf32, #tpu.memory_space<vmem>>) dst(%dma_wait3A_223 : memref<128x128xf32, #tpu.memory_space<hbm>>)
        } else {
        }
        %mul3A_209 = arith.constant 128 : i32
        %mul3A_210 = arith.muli %add3A_127, %mul3A_209 : i32
        %dma_start3A_211 = tpu.memref_slice %arg5[%mul3A_210] : memref<6400xi32, #tpu.memory_space<vmem>> -> memref<128xi32, #tpu.memory_space<vmem>>
        %dma_start3A_212 = arith.constant 0 : i32
        %dma_start3A_213 = arith.constant 0 : i32
        %dma_start3A_214 = tpu.memref_slice %arg3[%dma_start3A_212, %dma_start3A_213] : memref<100000x128xf32, #tpu.memory_space<hbm>> -> memref<100000x128xf32, #tpu.memory_space<hbm>>
        tpu.enqueue_indirect_dma source(%dma_start3A_214 : memref<100000x128xf32, #tpu.memory_space<hbm>>) target(%arg6 : memref<128x128xf32, #tpu.memory_space<vmem>>) offsets(%dma_start3A_211 : memref<128xi32, #tpu.memory_space<vmem>>) semaphore(%arg11 : memref<!tpu.dma_semaphore, #tpu.memory_space<semaphore_mem>>)
      } else {
      }
      %dma_wait3A_133 = arith.constant 0 : i32
      %dma_wait3A_134 = arith.constant 0 : i32
      %dma_wait3A_135 = tpu.memref_slice %arg3[%dma_wait3A_133, %dma_wait3A_134] : memref<100000x128xf32, #tpu.memory_space<hbm>> -> memref<128x128xf32, #tpu.memory_space<hbm>>
      %dma_wait3A_136 = arith.constant 0 : i32
      %dma_wait3A_137 = arith.constant 0 : i32
      %dma_wait3A_138 = tpu.memref_slice %arg3[%dma_wait3A_136, %dma_wait3A_137] : memref<100000x128xf32, #tpu.memory_space<hbm>> -> memref<128x128xf32, #tpu.memory_space<hbm>>
      tpu.wait_dma2 semaphore(%arg13 : memref<!tpu.dma_semaphore, #tpu.memory_space<semaphore_mem>>) src(%dma_wait3A_138 : memref<128x128xf32, #tpu.memory_space<hbm>>) dst(%arg8 : memref<128x128xf32, #tpu.memory_space<vmem>>)
      %scan3A_139 = arith.constant 0 : i32
      %scan3A_140 = arith.constant 0 : i32
      %scan3A_141 = arith.constant 64 : i32
      %scan3A_142 = arith.addi %scan3A_140, %scan3A_141 : i32
      %scan3A_143 = arith.constant 1 : i32
      scf.for %scan3A_205 = %scan3A_140 to %scan3A_142 step %scan3A_143  : i32 {
        %mul3A_206 = arith.constant 2 : i32
        %mul3A_207 = arith.muli %scan3A_205, %mul3A_206 : i32
        %add3A_208 = arith.constant 0 : i32
        %add3A_209 = arith.addi %mul3A_207, %add3A_208 : i32
        %get3A = arith.index_cast %add3A_209 : i32 to index
        %get3A_210 = arith.constant 0 : index
        %get3A_211 = tpu.vector_load %arg8[%get3A, %get3A_210] {strides = array<i32>} : memref<128x128xf32, #tpu.memory_space<vmem>>, vector<1x16xf32>,
        %get3A_212 = vector.shape_cast %get3A_211 : vector<1x16xf32> to vector<16xf32>
        %mul3A_213 = arith.constant 11.3137083 : f32
        %mul3A_214 = vector.broadcast %mul3A_213 : f32 to vector<16xf32>
        %mul3A_215 = arith.mulf %get3A_212, %mul3A_214 : vector<16xf32>
        %mul3A_216 = arith.constant 2 : i32
        %mul3A_217 = arith.muli %scan3A_205, %mul3A_216 : i32
        %add3A_218 = arith.constant 0 : i32
        %add3A_219 = arith.addi %mul3A_217, %add3A_218 : i32
        %swap3A = arith.index_cast %add3A_219 : i32 to index
        %swap3A_220 = arith.constant 0 : index
        %swap3A_221 = tpu.vector_load %arg8[%swap3A, %swap3A_220] {strides = array<i32>} : memref<128x128xf32, #tpu.memory_space<vmem>>, vector<1x16xf32>,
        %swap3A_222 = vector.shape_cast %swap3A_221 : vector<1x16xf32> to vector<16xf32>
        %swap3A_223 = vector.shape_cast %mul3A_215 : vector<16xf32> to vector<1x16xf32>
        tpu.vector_store %arg8[%swap3A, %swap3A_220], %swap3A_223 {strides = array<i32>} : memref<128x128xf32, #tpu.memory_space<vmem>>, vector<1x16xf32>,
        %mul3A_224 = arith.constant 2 : i32
        %mul3A_225 = arith.muli %scan3A_205, %mul3A_224 : i32
        %add3A_226 = arith.constant 0 : i32
        %add3A_227 = arith.addi %mul3A_225, %add3A_226 : i32
        %get3A_228 = arith.index_cast %add3A_227 : i32 to index
        %get3A_229 = arith.constant 16 : index
        %get3A_230 = tpu.vector_load %arg8[%get3A_228, %get3A_229] {strides = array<i32>} : memref<128x128xf32, #tpu.memory_space<vmem>>, vector<1x16xf32>,
        %get3A_231 = vector.shape_cast %get3A_230 : vector<1x16xf32> to vector<16xf32>
        %mul3A_232 = arith.constant 11.3137083 : f32
        %mul3A_233 = vector.broadcast %mul3A_232 : f32 to vector<16xf32>
        %mul3A_234 = arith.mulf %get3A_231, %mul3A_233 : vector<16xf32>
        %mul3A_235 = arith.constant 2 : i32
        %mul3A_236 = arith.muli %scan3A_205, %mul3A_235 : i32
        %add3A_237 = arith.constant 0 : i32
        %add3A_238 = arith.addi %mul3A_236, %add3A_237 : i32
        %swap3A_239 = arith.index_cast %add3A_238 : i32 to index
        %swap3A_240 = arith.constant 16 : index
        %swap3A_241 = tpu.vector_load %arg8[%swap3A_239, %swap3A_240] {strides = array<i32>} : memref<128x128xf32, #tpu.memory_space<vmem>>, vector<1x16xf32>,
        %swap3A_242 = vector.shape_cast %swap3A_241 : vector<1x16xf32> to vector<16xf32>
        %swap3A_243 = vector.shape_cast %mul3A_234 : vector<16xf32> to vector<1x16xf32>
        tpu.vector_store %arg8[%swap3A_239, %swap3A_240], %swap3A_243 {strides = array<i32>} : memref<128x128xf32, #tpu.memory_space<vmem>>, vector<1x16xf32>,
        %mul3A_244 = arith.constant 2 : i32
        %mul3A_245 = arith.muli %scan3A_205, %mul3A_244 : i32
        %add3A_246 = arith.constant 0 : i32
        %add3A_247 = arith.addi %mul3A_245, %add3A_246 : i32
        %get3A_248 = arith.index_cast %add3A_247 : i32 to index
        %get3A_249 = arith.constant 32 : index
        %get3A_250 = tpu.vector_load %arg8[%get3A_248, %get3A_249] {strides = array<i32>} : memref<128x128xf32, #tpu.memory_space<vmem>>, vector<1x16xf32>,
        %get3A_251 = vector.shape_cast %get3A_250 : vector<1x16xf32> to vector<16xf32>
        %mul3A_252 = arith.constant 11.3137083 : f32
        %mul3A_253 = vector.broadcast %mul3A_252 : f32 to vector<16xf32>
        %mul3A_254 = arith.mulf %get3A_251, %mul3A_253 : vector<16xf32>
        %mul3A_255 = arith.constant 2 : i32
        %mul3A_256 = arith.muli %scan3A_205, %mul3A_255 : i32
        %add3A_257 = arith.constant 0 : i32
        %add3A_258 = arith.addi %mul3A_256, %add3A_257 : i32
        %swap3A_259 = arith.index_cast %add3A_258 : i32 to index
        %swap3A_260 = arith.constant 32 : index
        %swap3A_261 = tpu.vector_load %arg8[%swap3A_259, %swap3A_260] {strides = array<i32>} : memref<128x128xf32, #tpu.memory_space<vmem>>, vector<1x16xf32>,
        %swap3A_262 = vector.shape_cast %swap3A_261 : vector<1x16xf32> to vector<16xf32>
        %swap3A_263 = vector.shape_cast %mul3A_254 : vector<16xf32> to vector<1x16xf32>
        tpu.vector_store %arg8[%swap3A_259, %swap3A_260], %swap3A_263 {strides = array<i32>} : memref<128x128xf32, #tpu.memory_space<vmem>>, vector<1x16xf32>,
        %mul3A_264 = arith.constant 2 : i32
        %mul3A_265 = arith.muli %scan3A_205, %mul3A_264 : i32
        %add3A_266 = arith.constant 0 : i32
        %add3A_267 = arith.addi %mul3A_265, %add3A_266 : i32
        %get3A_268 = arith.index_cast %add3A_267 : i32 to index
        %get3A_269 = arith.constant 48 : index
        %get3A_270 = tpu.vector_load %arg8[%get3A_268, %get3A_269] {strides = array<i32>} : memref<128x128xf32, #tpu.memory_space<vmem>>, vector<1x16xf32>,
        %get3A_271 = vector.shape_cast %get3A_270 : vector<1x16xf32> to vector<16xf32>
        %mul3A_272 = arith.constant 11.3137083 : f32
        %mul3A_273 = vector.broadcast %mul3A_272 : f32 to vector<16xf32>
        %mul3A_274 = arith.mulf %get3A_271, %mul3A_273 : vector<16xf32>
        %mul3A_275 = arith.constant 2 : i32
        %mul3A_276 = arith.muli %scan3A_205, %mul3A_275 : i32
        %add3A_277 = arith.constant 0 : i32
        %add3A_278 = arith.addi %mul3A_276, %add3A_277 : i32
        %swap3A_279 = arith.index_cast %add3A_278 : i32 to index
        %swap3A_280 = arith.constant 48 : index
        %swap3A_281 = tpu.vector_load %arg8[%swap3A_279, %swap3A_280] {strides = array<i32>} : memref<128x128xf32, #tpu.memory_space<vmem>>, vector<1x16xf32>,
        %swap3A_282 = vector.shape_cast %swap3A_281 : vector<1x16xf32> to vector<16xf32>
        %swap3A_283 = vector.shape_cast %mul3A_274 : vector<16xf32> to vector<1x16xf32>
        tpu.vector_store %arg8[%swap3A_279, %swap3A_280], %swap3A_283 {strides = array<i32>} : memref<128x128xf32, #tpu.memory_space<vmem>>, vector<1x16xf32>,
        %mul3A_284 = arith.constant 2 : i32
        %mul3A_285 = arith.muli %scan3A_205, %mul3A_284 : i32
        %add3A_286 = arith.constant 0 : i32
        %add3A_287 = arith.addi %mul3A_285, %add3A_286 : i32
        %get3A_288 = arith.index_cast %add3A_287 : i32 to index
        %get3A_289 = arith.constant 64 : index
        %get3A_290 = tpu.vector_load %arg8[%get3A_288, %get3A_289] {strides = array<i32>} : memref<128x128xf32, #tpu.memory_space<vmem>>, vector<1x16xf32>,
        %get3A_291 = vector.shape_cast %get3A_290 : vector<1x16xf32> to vector<16xf32>
        %mul3A_292 = arith.constant 11.3137083 : f32
        %mul3A_293 = vector.broadcast %mul3A_292 : f32 to vector<16xf32>
        %mul3A_294 = arith.mulf %get3A_291, %mul3A_293 : vector<16xf32>
        %mul3A_295 = arith.constant 2 : i32
        %mul3A_296 = arith.muli %scan3A_205, %mul3A_295 : i32
        %add3A_297 = arith.constant 0 : i32
        %add3A_298 = arith.addi %mul3A_296, %add3A_297 : i32
        %swap3A_299 = arith.index_cast %add3A_298 : i32 to index
        %swap3A_300 = arith.constant 64 : index
        %swap3A_301 = tpu.vector_load %arg8[%swap3A_299, %swap3A_300] {strides = array<i32>} : memref<128x128xf32, #tpu.memory_space<vmem>>, vector<1x16xf32>,
        %swap3A_302 = vector.shape_cast %swap3A_301 : vector<1x16xf32> to vector<16xf32>
        %swap3A_303 = vector.shape_cast %mul3A_294 : vector<16xf32> to vector<1x16xf32>
        tpu.vector_store %arg8[%swap3A_299, %swap3A_300], %swap3A_303 {strides = array<i32>} : memref<128x128xf32, #tpu.memory_space<vmem>>, vector<1x16xf32>,
        %mul3A_304 = arith.constant 2 : i32
        %mul3A_305 = arith.muli %scan3A_205, %mul3A_304 : i32
        %add3A_306 = arith.constant 0 : i32
        %add3A_307 = arith.addi %mul3A_305, %add3A_306 : i32
        %get3A_308 = arith.index_cast %add3A_307 : i32 to index
        %get3A_309 = arith.constant 80 : index
        %get3A_310 = tpu.vector_load %arg8[%get3A_308, %get3A_309] {strides = array<i32>} : memref<128x128xf32, #tpu.memory_space<vmem>>, vector<1x16xf32>,
        %get3A_311 = vector.shape_cast %get3A_310 : vector<1x16xf32> to vector<16xf32>
        %mul3A_312 = arith.constant 11.3137083 : f32
        %mul3A_313 = vector.broadcast %mul3A_312 : f32 to vector<16xf32>
        %mul3A_314 = arith.mulf %get3A_311, %mul3A_313 : vector<16xf32>
        %mul3A_315 = arith.constant 2 : i32
        %mul3A_316 = arith.muli %scan3A_205, %mul3A_315 : i32
        %add3A_317 = arith.constant 0 : i32
        %add3A_318 = arith.addi %mul3A_316, %add3A_317 : i32
        %swap3A_319 = arith.index_cast %add3A_318 : i32 to index
        %swap3A_320 = arith.constant 80 : index
        %swap3A_321 = tpu.vector_load %arg8[%swap3A_319, %swap3A_320] {strides = array<i32>} : memref<128x128xf32, #tpu.memory_space<vmem>>, vector<1x16xf32>,
        %swap3A_322 = vector.shape_cast %swap3A_321 : vector<1x16xf32> to vector<16xf32>
        %swap3A_323 = vector.shape_cast %mul3A_314 : vector<16xf32> to vector<1x16xf32>
        tpu.vector_store %arg8[%swap3A_319, %swap3A_320], %swap3A_323 {strides = array<i32>} : memref<128x128xf32, #tpu.memory_space<vmem>>, vector<1x16xf32>,
        %mul3A_324 = arith.constant 2 : i32
        %mul3A_325 = arith.muli %scan3A_205, %mul3A_324 : i32
        %add3A_326 = arith.constant 0 : i32
        %add3A_327 = arith.addi %mul3A_325, %add3A_326 : i32
        %get3A_328 = arith.index_cast %add3A_327 : i32 to index
        %get3A_329 = arith.constant 96 : index
        %get3A_330 = tpu.vector_load %arg8[%get3A_328, %get3A_329] {strides = array<i32>} : memref<128x128xf32, #tpu.memory_space<vmem>>, vector<1x16xf32>,
        %get3A_331 = vector.shape_cast %get3A_330 : vector<1x16xf32> to vector<16xf32>
        %mul3A_332 = arith.constant 11.3137083 : f32
        %mul3A_333 = vector.broadcast %mul3A_332 : f32 to vector<16xf32>
        %mul3A_334 = arith.mulf %get3A_331, %mul3A_333 : vector<16xf32>
        %mul3A_335 = arith.constant 2 : i32
        %mul3A_336 = arith.muli %scan3A_205, %mul3A_335 : i32
        %add3A_337 = arith.constant 0 : i32
        %add3A_338 = arith.addi %mul3A_336, %add3A_337 : i32
        %swap3A_339 = arith.index_cast %add3A_338 : i32 to index
        %swap3A_340 = arith.constant 96 : index
        %swap3A_341 = tpu.vector_load %arg8[%swap3A_339, %swap3A_340] {strides = array<i32>} : memref<128x128xf32, #tpu.memory_space<vmem>>, vector<1x16xf32>,
        %swap3A_342 = vector.shape_cast %swap3A_341 : vector<1x16xf32> to vector<16xf32>
        %swap3A_343 = vector.shape_cast %mul3A_334 : vector<16xf32> to vector<1x16xf32>
        tpu.vector_store %arg8[%swap3A_339, %swap3A_340], %swap3A_343 {strides = array<i32>} : memref<128x128xf32, #tpu.memory_space<vmem>>, vector<1x16xf32>,
        %mul3A_344 = arith.constant 2 : i32
        %mul3A_345 = arith.muli %scan3A_205, %mul3A_344 : i32
        %add3A_346 = arith.constant 0 : i32
        %add3A_347 = arith.addi %mul3A_345, %add3A_346 : i32
        %get3A_348 = arith.index_cast %add3A_347 : i32 to index
        %get3A_349 = arith.constant 112 : index
        %get3A_350 = tpu.vector_load %arg8[%get3A_348, %get3A_349] {strides = array<i32>} : memref<128x128xf32, #tpu.memory_space<vmem>>, vector<1x16xf32>,
        %get3A_351 = vector.shape_cast %get3A_350 : vector<1x16xf32> to vector<16xf32>
        %mul3A_352 = arith.constant 11.3137083 : f32
        %mul3A_353 = vector.broadcast %mul3A_352 : f32 to vector<16xf32>
        %mul3A_354 = arith.mulf %get3A_351, %mul3A_353 : vector<16xf32>
        %mul3A_355 = arith.constant 2 : i32
        %mul3A_356 = arith.muli %scan3A_205, %mul3A_355 : i32
        %add3A_357 = arith.constant 0 : i32
        %add3A_358 = arith.addi %mul3A_356, %add3A_357 : i32
        %swap3A_359 = arith.index_cast %add3A_358 : i32 to index
        %swap3A_360 = arith.constant 112 : index
        %swap3A_361 = tpu.vector_load %arg8[%swap3A_359, %swap3A_360] {strides = array<i32>} : memref<128x128xf32, #tpu.memory_space<vmem>>, vector<1x16xf32>,
        %swap3A_362 = vector.shape_cast %swap3A_361 : vector<1x16xf32> to vector<16xf32>
        %swap3A_363 = vector.shape_cast %mul3A_354 : vector<16xf32> to vector<1x16xf32>
        tpu.vector_store %arg8[%swap3A_359, %swap3A_360], %swap3A_363 {strides = array<i32>} : memref<128x128xf32, #tpu.memory_space<vmem>>, vector<1x16xf32>,
        %mul3A_364 = arith.constant 2 : i32
        %mul3A_365 = arith.muli %scan3A_205, %mul3A_364 : i32
        %add3A_366 = arith.constant 1 : i32
        %add3A_367 = arith.addi %mul3A_365, %add3A_366 : i32
        %get3A_368 = arith.index_cast %add3A_367 : i32 to index
        %get3A_369 = arith.constant 0 : index
        %get3A_370 = tpu.vector_load %arg8[%get3A_368, %get3A_369] {strides = array<i32>} : memref<128x128xf32, #tpu.memory_space<vmem>>, vector<1x16xf32>,
        %get3A_371 = vector.shape_cast %get3A_370 : vector<1x16xf32> to vector<16xf32>
        %mul3A_372 = arith.constant 11.3137083 : f32
        %mul3A_373 = vector.broadcast %mul3A_372 : f32 to vector<16xf32>
        %mul3A_374 = arith.mulf %get3A_371, %mul3A_373 : vector<16xf32>
        %mul3A_375 = arith.constant 2 : i32
        %mul3A_376 = arith.muli %scan3A_205, %mul3A_375 : i32
        %add3A_377 = arith.constant 1 : i32
        %add3A_378 = arith.addi %mul3A_376, %add3A_377 : i32
        %swap3A_379 = arith.index_cast %add3A_378 : i32 to index
        %swap3A_380 = arith.constant 0 : index
        %swap3A_381 = tpu.vector_load %arg8[%swap3A_379, %swap3A_380] {strides = array<i32>} : memref<128x128xf32, #tpu.memory_space<vmem>>, vector<1x16xf32>,
        %swap3A_382 = vector.shape_cast %swap3A_381 : vector<1x16xf32> to vector<16xf32>
        %swap3A_383 = vector.shape_cast %mul3A_374 : vector<16xf32> to vector<1x16xf32>
        tpu.vector_store %arg8[%swap3A_379, %swap3A_380], %swap3A_383 {strides = array<i32>} : memref<128x128xf32, #tpu.memory_space<vmem>>, vector<1x16xf32>,
        %mul3A_384 = arith.constant 2 : i32
        %mul3A_385 = arith.muli %scan3A_205, %mul3A_384 : i32
        %add3A_386 = arith.constant 1 : i32
        %add3A_387 = arith.addi %mul3A_385, %add3A_386 : i32
        %get3A_388 = arith.index_cast %add3A_387 : i32 to index
        %get3A_389 = arith.constant 16 : index
        %get3A_390 = tpu.vector_load %arg8[%get3A_388, %get3A_389] {strides = array<i32>} : memref<128x128xf32, #tpu.memory_space<vmem>>, vector<1x16xf32>,
        %get3A_391 = vector.shape_cast %get3A_390 : vector<1x16xf32> to vector<16xf32>
        %mul3A_392 = arith.constant 11.3137083 : f32
        %mul3A_393 = vector.broadcast %mul3A_392 : f32 to vector<16xf32>
        %mul3A_394 = arith.mulf %get3A_391, %mul3A_393 : vector<16xf32>
        %mul3A_395 = arith.constant 2 : i32
        %mul3A_396 = arith.muli %scan3A_205, %mul3A_395 : i32
        %add3A_397 = arith.constant 1 : i32
        %add3A_398 = arith.addi %mul3A_396, %add3A_397 : i32
        %swap3A_399 = arith.index_cast %add3A_398 : i32 to index
        %swap3A_400 = arith.constant 16 : index
        %swap3A_401 = tpu.vector_load %arg8[%swap3A_399, %swap3A_400] {strides = array<i32>} : memref<128x128xf32, #tpu.memory_space<vmem>>, vector<1x16xf32>,
        %swap3A_402 = vector.shape_cast %swap3A_401 : vector<1x16xf32> to vector<16xf32>
        %swap3A_403 = vector.shape_cast %mul3A_394 : vector<16xf32> to vector<1x16xf32>
        tpu.vector_store %arg8[%swap3A_399, %swap3A_400], %swap3A_403 {strides = array<i32>} : memref<128x128xf32, #tpu.memory_space<vmem>>, vector<1x16xf32>,
        %mul3A_404 = arith.constant 2 : i32
        %mul3A_405 = arith.muli %scan3A_205, %mul3A_404 : i32
        %add3A_406 = arith.constant 1 : i32
        %add3A_407 = arith.addi %mul3A_405, %add3A_406 : i32
        %get3A_408 = arith.index_cast %add3A_407 : i32 to index
        %get3A_409 = arith.constant 32 : index
        %get3A_410 = tpu.vector_load %arg8[%get3A_408, %get3A_409] {strides = array<i32>} : memref<128x128xf32, #tpu.memory_space<vmem>>, vector<1x16xf32>,
        %get3A_411 = vector.shape_cast %get3A_410 : vector<1x16xf32> to vector<16xf32>
        %mul3A_412 = arith.constant 11.3137083 : f32
        %mul3A_413 = vector.broadcast %mul3A_412 : f32 to vector<16xf32>
        %mul3A_414 = arith.mulf %get3A_411, %mul3A_413 : vector<16xf32>
        %mul3A_415 = arith.constant 2 : i32
        %mul3A_416 = arith.muli %scan3A_205, %mul3A_415 : i32
        %add3A_417 = arith.constant 1 : i32
        %add3A_418 = arith.addi %mul3A_416, %add3A_417 : i32
        %swap3A_419 = arith.index_cast %add3A_418 : i32 to index
        %swap3A_420 = arith.constant 32 : index
        %swap3A_421 = tpu.vector_load %arg8[%swap3A_419, %swap3A_420] {strides = array<i32>} : memref<128x128xf32, #tpu.memory_space<vmem>>, vector<1x16xf32>,
        %swap3A_422 = vector.shape_cast %swap3A_421 : vector<1x16xf32> to vector<16xf32>
        %swap3A_423 = vector.shape_cast %mul3A_414 : vector<16xf32> to vector<1x16xf32>
        tpu.vector_store %arg8[%swap3A_419, %swap3A_420], %swap3A_423 {strides = array<i32>} : memref<128x128xf32, #tpu.memory_space<vmem>>, vector<1x16xf32>,
        %mul3A_424 = arith.constant 2 : i32
        %mul3A_425 = arith.muli %scan3A_205, %mul3A_424 : i32
        %add3A_426 = arith.constant 1 : i32
        %add3A_427 = arith.addi %mul3A_425, %add3A_426 : i32
        %get3A_428 = arith.index_cast %add3A_427 : i32 to index
        %get3A_429 = arith.constant 48 : index
        %get3A_430 = tpu.vector_load %arg8[%get3A_428, %get3A_429] {strides = array<i32>} : memref<128x128xf32, #tpu.memory_space<vmem>>, vector<1x16xf32>,
        %get3A_431 = vector.shape_cast %get3A_430 : vector<1x16xf32> to vector<16xf32>
        %mul3A_432 = arith.constant 11.3137083 : f32
        %mul3A_433 = vector.broadcast %mul3A_432 : f32 to vector<16xf32>
        %mul3A_434 = arith.mulf %get3A_431, %mul3A_433 : vector<16xf32>
        %mul3A_435 = arith.constant 2 : i32
        %mul3A_436 = arith.muli %scan3A_205, %mul3A_435 : i32
        %add3A_437 = arith.constant 1 : i32
        %add3A_438 = arith.addi %mul3A_436, %add3A_437 : i32
        %swap3A_439 = arith.index_cast %add3A_438 : i32 to index
        %swap3A_440 = arith.constant 48 : index
        %swap3A_441 = tpu.vector_load %arg8[%swap3A_439, %swap3A_440] {strides = array<i32>} : memref<128x128xf32, #tpu.memory_space<vmem>>, vector<1x16xf32>,
        %swap3A_442 = vector.shape_cast %swap3A_441 : vector<1x16xf32> to vector<16xf32>
        %swap3A_443 = vector.shape_cast %mul3A_434 : vector<16xf32> to vector<1x16xf32>
        tpu.vector_store %arg8[%swap3A_439, %swap3A_440], %swap3A_443 {strides = array<i32>} : memref<128x128xf32, #tpu.memory_space<vmem>>, vector<1x16xf32>,
        %mul3A_444 = arith.constant 2 : i32
        %mul3A_445 = arith.muli %scan3A_205, %mul3A_444 : i32
        %add3A_446 = arith.constant 1 : i32
        %add3A_447 = arith.addi %mul3A_445, %add3A_446 : i32
        %get3A_448 = arith.index_cast %add3A_447 : i32 to index
        %get3A_449 = arith.constant 64 : index
        %get3A_450 = tpu.vector_load %arg8[%get3A_448, %get3A_449] {strides = array<i32>} : memref<128x128xf32, #tpu.memory_space<vmem>>, vector<1x16xf32>,
        %get3A_451 = vector.shape_cast %get3A_450 : vector<1x16xf32> to vector<16xf32>
        %mul3A_452 = arith.constant 11.3137083 : f32
        %mul3A_453 = vector.broadcast %mul3A_452 : f32 to vector<16xf32>
        %mul3A_454 = arith.mulf %get3A_451, %mul3A_453 : vector<16xf32>
        %mul3A_455 = arith.constant 2 : i32
        %mul3A_456 = arith.muli %scan3A_205, %mul3A_455 : i32
        %add3A_457 = arith.constant 1 : i32
        %add3A_458 = arith.addi %mul3A_456, %add3A_457 : i32
        %swap3A_459 = arith.index_cast %add3A_458 : i32 to index
        %swap3A_460 = arith.constant 64 : index
        %swap3A_461 = tpu.vector_load %arg8[%swap3A_459, %swap3A_460] {strides = array<i32>} : memref<128x128xf32, #tpu.memory_space<vmem>>, vector<1x16xf32>,
        %swap3A_462 = vector.shape_cast %swap3A_461 : vector<1x16xf32> to vector<16xf32>
        %swap3A_463 = vector.shape_cast %mul3A_454 : vector<16xf32> to vector<1x16xf32>
        tpu.vector_store %arg8[%swap3A_459, %swap3A_460], %swap3A_463 {strides = array<i32>} : memref<128x128xf32, #tpu.memory_space<vmem>>, vector<1x16xf32>,
        %mul3A_464 = arith.constant 2 : i32
        %mul3A_465 = arith.muli %scan3A_205, %mul3A_464 : i32
        %add3A_466 = arith.constant 1 : i32
        %add3A_467 = arith.addi %mul3A_465, %add3A_466 : i32
        %get3A_468 = arith.index_cast %add3A_467 : i32 to index
        %get3A_469 = arith.constant 80 : index
        %get3A_470 = tpu.vector_load %arg8[%get3A_468, %get3A_469] {strides = array<i32>} : memref<128x128xf32, #tpu.memory_space<vmem>>, vector<1x16xf32>,
        %get3A_471 = vector.shape_cast %get3A_470 : vector<1x16xf32> to vector<16xf32>
        %mul3A_472 = arith.constant 11.3137083 : f32
        %mul3A_473 = vector.broadcast %mul3A_472 : f32 to vector<16xf32>
        %mul3A_474 = arith.mulf %get3A_471, %mul3A_473 : vector<16xf32>
        %mul3A_475 = arith.constant 2 : i32
        %mul3A_476 = arith.muli %scan3A_205, %mul3A_475 : i32
        %add3A_477 = arith.constant 1 : i32
        %add3A_478 = arith.addi %mul3A_476, %add3A_477 : i32
        %swap3A_479 = arith.index_cast %add3A_478 : i32 to index
        %swap3A_480 = arith.constant 80 : index
        %swap3A_481 = tpu.vector_load %arg8[%swap3A_479, %swap3A_480] {strides = array<i32>} : memref<128x128xf32, #tpu.memory_space<vmem>>, vector<1x16xf32>,
        %swap3A_482 = vector.shape_cast %swap3A_481 : vector<1x16xf32> to vector<16xf32>
        %swap3A_483 = vector.shape_cast %mul3A_474 : vector<16xf32> to vector<1x16xf32>
        tpu.vector_store %arg8[%swap3A_479, %swap3A_480], %swap3A_483 {strides = array<i32>} : memref<128x128xf32, #tpu.memory_space<vmem>>, vector<1x16xf32>,
        %mul3A_484 = arith.constant 2 : i32
        %mul3A_485 = arith.muli %scan3A_205, %mul3A_484 : i32
        %add3A_486 = arith.constant 1 : i32
        %add3A_487 = arith.addi %mul3A_485, %add3A_486 : i32
        %get3A_488 = arith.index_cast %add3A_487 : i32 to index
        %get3A_489 = arith.constant 96 : index
        %get3A_490 = tpu.vector_load %arg8[%get3A_488, %get3A_489] {strides = array<i32>} : memref<128x128xf32, #tpu.memory_space<vmem>>, vector<1x16xf32>,
        %get3A_491 = vector.shape_cast %get3A_490 : vector<1x16xf32> to vector<16xf32>
        %mul3A_492 = arith.constant 11.3137083 : f32
        %mul3A_493 = vector.broadcast %mul3A_492 : f32 to vector<16xf32>
        %mul3A_494 = arith.mulf %get3A_491, %mul3A_493 : vector<16xf32>
        %mul3A_495 = arith.constant 2 : i32
        %mul3A_496 = arith.muli %scan3A_205, %mul3A_495 : i32
        %add3A_497 = arith.constant 1 : i32
        %add3A_498 = arith.addi %mul3A_496, %add3A_497 : i32
        %swap3A_499 = arith.index_cast %add3A_498 : i32 to index
        %swap3A_500 = arith.constant 96 : index
        %swap3A_501 = tpu.vector_load %arg8[%swap3A_499, %swap3A_500] {strides = array<i32>} : memref<128x128xf32, #tpu.memory_space<vmem>>, vector<1x16xf32>,
        %swap3A_502 = vector.shape_cast %swap3A_501 : vector<1x16xf32> to vector<16xf32>
        %swap3A_503 = vector.shape_cast %mul3A_494 : vector<16xf32> to vector<1x16xf32>
        tpu.vector_store %arg8[%swap3A_499, %swap3A_500], %swap3A_503 {strides = array<i32>} : memref<128x128xf32, #tpu.memory_space<vmem>>, vector<1x16xf32>,
        %mul3A_504 = arith.constant 2 : i32
        %mul3A_505 = arith.muli %scan3A_205, %mul3A_504 : i32
        %add3A_506 = arith.constant 1 : i32
        %add3A_507 = arith.addi %mul3A_505, %add3A_506 : i32
        %get3A_508 = arith.index_cast %add3A_507 : i32 to index
        %get3A_509 = arith.constant 112 : index
        %get3A_510 = tpu.vector_load %arg8[%get3A_508, %get3A_509] {strides = array<i32>} : memref<128x128xf32, #tpu.memory_space<vmem>>, vector<1x16xf32>,
        %get3A_511 = vector.shape_cast %get3A_510 : vector<1x16xf32> to vector<16xf32>
        %mul3A_512 = arith.constant 11.3137083 : f32
        %mul3A_513 = vector.broadcast %mul3A_512 : f32 to vector<16xf32>
        %mul3A_514 = arith.mulf %get3A_511, %mul3A_513 : vector<16xf32>
        %mul3A_515 = arith.constant 2 : i32
        %mul3A_516 = arith.muli %scan3A_205, %mul3A_515 : i32
        %add3A_517 = arith.constant 1 : i32
        %add3A_518 = arith.addi %mul3A_516, %add3A_517 : i32
        %swap3A_519 = arith.index_cast %add3A_518 : i32 to index
        %swap3A_520 = arith.constant 112 : index
        %swap3A_521 = tpu.vector_load %arg8[%swap3A_519, %swap3A_520] {strides = array<i32>} : memref<128x128xf32, #tpu.memory_space<vmem>>, vector<1x16xf32>,
        %swap3A_522 = vector.shape_cast %swap3A_521 : vector<1x16xf32> to vector<16xf32>
        %swap3A_523 = vector.shape_cast %mul3A_514 : vector<16xf32> to vector<1x16xf32>
        tpu.vector_store %arg8[%swap3A_519, %swap3A_520], %swap3A_523 {strides = array<i32>} : memref<128x128xf32, #tpu.memory_space<vmem>>, vector<1x16xf32>,
      }
      %scan3A_144 = arith.constant 64 : i32
      %dma_start3A_145 = arith.constant 0 : i32
      %dma_start3A_146 = tpu.memref_slice %arg4[%add3A_125, %mul3A_2, %dma_start3A_145] : memref<50x4096x128xf32, #tpu.memory_space<hbm>> -> memref<1x128x128xf32, #tpu.memory_space<hbm>>
      %dma_start3A_147 = tpu.memref_squeeze %dma_start3A_146 : memref<1x128x128xf32, #tpu.memory_space<hbm>> -> memref<128x128xf32, #tpu.memory_space<hbm>>
      %dma_start3A_148 = arith.constant 0 : i32
      %dma_start3A_149 = tpu.memref_slice %arg4[%add3A_125, %mul3A_2, %dma_start3A_148] : memref<50x4096x128xf32, #tpu.memory_space<hbm>> -> memref<1x128x128xf32, #tpu.memory_space<hbm>>
      %dma_start3A_150 = tpu.memref_squeeze %dma_start3A_149 : memref<1x128x128xf32, #tpu.memory_space<hbm>> -> memref<128x128xf32, #tpu.memory_space<hbm>>
      tpu.enqueue_dma source(%arg8 : memref<128x128xf32, #tpu.memory_space<vmem>>) target(%dma_start3A_150 : memref<128x128xf32, #tpu.memory_space<hbm>>) target_semaphore(%arg18 : memref<!tpu.dma_semaphore, #tpu.memory_space<semaphore_mem>>)
      %add3A_151 = arith.constant 3 : i32
      %add3A_152 = arith.addi %mul3A_72, %add3A_151 : i32
      %add3A_153 = arith.constant 3 : i32
      %add3A_154 = arith.addi %add3A_152, %add3A_153 : i32
      %lt3A_155 = arith.constant 50 : i32
      %lt3A_156 = arith.cmpi slt, %add3A_154, %lt3A_155 : i32
      %convert_element_type3A_157 = arith.extui %lt3A_156 : i1 to i32
      %cond3A_158 = arith.constant 0 : i32
      %cond3A_159 = arith.cmpi ne, %convert_element_type3A_157, %cond3A_158 : i32
      scf.if %cond3A_159 {
        %ge3A = arith.constant 2 : i32
        %ge3A_205 = arith.cmpi sge, %add3A_152, %ge3A : i32
        %convert_element_type3A_206 = arith.extui %ge3A_205 : i1 to i32
        %cond3A_207 = arith.constant 0 : i32
        %cond3A_208 = arith.cmpi ne, %convert_element_type3A_206, %cond3A_207 : i32
        scf.if %cond3A_208 {
          %dma_wait3A_215 = arith.constant 0 : i32
          %dma_wait3A_216 = arith.constant 0 : i32
          %dma_wait3A_217 = arith.constant 0 : i32
          %dma_wait3A_218 = tpu.memref_slice %arg4[%dma_wait3A_215, %dma_wait3A_216, %dma_wait3A_217] : memref<50x4096x128xf32, #tpu.memory_space<hbm>> -> memref<1x128x128xf32, #tpu.memory_space<hbm>>
          %dma_wait3A_219 = tpu.memref_squeeze %dma_wait3A_218 : memref<1x128x128xf32, #tpu.memory_space<hbm>> -> memref<128x128xf32, #tpu.memory_space<hbm>>
          %dma_wait3A_220 = arith.constant 0 : i32
          %dma_wait3A_221 = arith.constant 0 : i32
          %dma_wait3A_222 = tpu.memref_slice %arg4[%dma_wait3A_215, %dma_wait3A_220, %dma_wait3A_221] : memref<50x4096x128xf32, #tpu.memory_space<hbm>> -> memref<1x128x128xf32, #tpu.memory_space<hbm>>
          %dma_wait3A_223 = tpu.memref_squeeze %dma_wait3A_222 : memref<1x128x128xf32, #tpu.memory_space<hbm>> -> memref<128x128xf32, #tpu.memory_space<hbm>>
          tpu.wait_dma2 semaphore(%arg17 : memref<!tpu.dma_semaphore, #tpu.memory_space<semaphore_mem>>) src(%arg7 : memref<128x128xf32, #tpu.memory_space<vmem>>) dst(%dma_wait3A_223 : memref<128x128xf32, #tpu.memory_space<hbm>>)
        } else {
        }
        %mul3A_209 = arith.constant 128 : i32
        %mul3A_210 = arith.muli %add3A_154, %mul3A_209 : i32
        %dma_start3A_211 = tpu.memref_slice %arg5[%mul3A_210] : memref<6400xi32, #tpu.memory_space<vmem>> -> memref<128xi32, #tpu.memory_space<vmem>>
        %dma_start3A_212 = arith.constant 0 : i32
        %dma_start3A_213 = arith.constant 0 : i32
        %dma_start3A_214 = tpu.memref_slice %arg3[%dma_start3A_212, %dma_start3A_213] : memref<100000x128xf32, #tpu.memory_space<hbm>> -> memref<100000x128xf32, #tpu.memory_space<hbm>>
        tpu.enqueue_indirect_dma source(%dma_start3A_214 : memref<100000x128xf32, #tpu.memory_space<hbm>>) target(%arg7 : memref<128x128xf32, #tpu.memory_space<vmem>>) offsets(%dma_start3A_211 : memref<128xi32, #tpu.memory_space<vmem>>) semaphore(%arg12 : memref<!tpu.dma_semaphore, #tpu.memory_space<semaphore_mem>>)
      } else {
      }
      %dma_wait3A_160 = arith.constant 0 : i32
      %dma_wait3A_161 = arith.constant 0 : i32
      %dma_wait3A_162 = tpu.memref_slice %arg3[%dma_wait3A_160, %dma_wait3A_161] : memref<100000x128xf32, #tpu.memory_space<hbm>> -> memref<128x128xf32, #tpu.memory_space<hbm>>
      %dma_wait3A_163 = arith.constant 0 : i32
      %dma_wait3A_164 = arith.constant 0 : i32
      %dma_wait3A_165 = tpu.memref_slice %arg3[%dma_wait3A_163, %dma_wait3A_164] : memref<100000x128xf32, #tpu.memory_space<hbm>> -> memref<128x128xf32, #tpu.memory_space<hbm>>
      tpu.wait_dma2 semaphore(%arg14 : memref<!tpu.dma_semaphore, #tpu.memory_space<semaphore_mem>>) src(%dma_wait3A_165 : memref<128x128xf32, #tpu.memory_space<hbm>>) dst(%arg9 : memref<128x128xf32, #tpu.memory_space<vmem>>)
      %scan3A_166 = arith.constant 0 : i32
      %scan3A_167 = arith.constant 0 : i32
      %scan3A_168 = arith.constant 64 : i32
      %scan3A_169 = arith.addi %scan3A_167, %scan3A_168 : i32
      %scan3A_170 = arith.constant 1 : i32
      scf.for %scan3A_205 = %scan3A_167 to %scan3A_169 step %scan3A_170  : i32 {
        %mul3A_206 = arith.constant 2 : i32
        %mul3A_207 = arith.muli %scan3A_205, %mul3A_206 : i32
        %add3A_208 = arith.constant 0 : i32
        %add3A_209 = arith.addi %mul3A_207, %add3A_208 : i32
        %get3A = arith.index_cast %add3A_209 : i32 to index
        %get3A_210 = arith.constant 0 : index
        %get3A_211 = tpu.vector_load %arg9[%get3A, %get3A_210] {strides = array<i32>} : memref<128x128xf32, #tpu.memory_space<vmem>>, vector<1x16xf32>,
        %get3A_212 = vector.shape_cast %get3A_211 : vector<1x16xf32> to vector<16xf32>
        %mul3A_213 = arith.constant 11.3137083 : f32
        %mul3A_214 = vector.broadcast %mul3A_213 : f32 to vector<16xf32>
        %mul3A_215 = arith.mulf %get3A_212, %mul3A_214 : vector<16xf32>
        %mul3A_216 = arith.constant 2 : i32
        %mul3A_217 = arith.muli %scan3A_205, %mul3A_216 : i32
        %add3A_218 = arith.constant 0 : i32
        %add3A_219 = arith.addi %mul3A_217, %add3A_218 : i32
        %swap3A = arith.index_cast %add3A_219 : i32 to index
        %swap3A_220 = arith.constant 0 : index
        %swap3A_221 = tpu.vector_load %arg9[%swap3A, %swap3A_220] {strides = array<i32>} : memref<128x128xf32, #tpu.memory_space<vmem>>, vector<1x16xf32>,
        %swap3A_222 = vector.shape_cast %swap3A_221 : vector<1x16xf32> to vector<16xf32>
        %swap3A_223 = vector.shape_cast %mul3A_215 : vector<16xf32> to vector<1x16xf32>
        tpu.vector_store %arg9[%swap3A, %swap3A_220], %swap3A_223 {strides = array<i32>} : memref<128x128xf32, #tpu.memory_space<vmem>>, vector<1x16xf32>,
        %mul3A_224 = arith.constant 2 : i32
        %mul3A_225 = arith.muli %scan3A_205, %mul3A_224 : i32
        %add3A_226 = arith.constant 0 : i32
        %add3A_227 = arith.addi %mul3A_225, %add3A_226 : i32
        %get3A_228 = arith.index_cast %add3A_227 : i32 to index
        %get3A_229 = arith.constant 16 : index
        %get3A_230 = tpu.vector_load %arg9[%get3A_228, %get3A_229] {strides = array<i32>} : memref<128x128xf32, #tpu.memory_space<vmem>>, vector<1x16xf32>,
        %get3A_231 = vector.shape_cast %get3A_230 : vector<1x16xf32> to vector<16xf32>
        %mul3A_232 = arith.constant 11.3137083 : f32
        %mul3A_233 = vector.broadcast %mul3A_232 : f32 to vector<16xf32>
        %mul3A_234 = arith.mulf %get3A_231, %mul3A_233 : vector<16xf32>
        %mul3A_235 = arith.constant 2 : i32
        %mul3A_236 = arith.muli %scan3A_205, %mul3A_235 : i32
        %add3A_237 = arith.constant 0 : i32
        %add3A_238 = arith.addi %mul3A_236, %add3A_237 : i32
        %swap3A_239 = arith.index_cast %add3A_238 : i32 to index
        %swap3A_240 = arith.constant 16 : index
        %swap3A_241 = tpu.vector_load %arg9[%swap3A_239, %swap3A_240] {strides = array<i32>} : memref<128x128xf32, #tpu.memory_space<vmem>>, vector<1x16xf32>,
        %swap3A_242 = vector.shape_cast %swap3A_241 : vector<1x16xf32> to vector<16xf32>
        %swap3A_243 = vector.shape_cast %mul3A_234 : vector<16xf32> to vector<1x16xf32>
        tpu.vector_store %arg9[%swap3A_239, %swap3A_240], %swap3A_243 {strides = array<i32>} : memref<128x128xf32, #tpu.memory_space<vmem>>, vector<1x16xf32>,
        %mul3A_244 = arith.constant 2 : i32
        %mul3A_245 = arith.muli %scan3A_205, %mul3A_244 : i32
        %add3A_246 = arith.constant 0 : i32
        %add3A_247 = arith.addi %mul3A_245, %add3A_246 : i32
        %get3A_248 = arith.index_cast %add3A_247 : i32 to index
        %get3A_249 = arith.constant 32 : index
        %get3A_250 = tpu.vector_load %arg9[%get3A_248, %get3A_249] {strides = array<i32>} : memref<128x128xf32, #tpu.memory_space<vmem>>, vector<1x16xf32>,
        %get3A_251 = vector.shape_cast %get3A_250 : vector<1x16xf32> to vector<16xf32>
        %mul3A_252 = arith.constant 11.3137083 : f32
        %mul3A_253 = vector.broadcast %mul3A_252 : f32 to vector<16xf32>
        %mul3A_254 = arith.mulf %get3A_251, %mul3A_253 : vector<16xf32>
        %mul3A_255 = arith.constant 2 : i32
        %mul3A_256 = arith.muli %scan3A_205, %mul3A_255 : i32
        %add3A_257 = arith.constant 0 : i32
        %add3A_258 = arith.addi %mul3A_256, %add3A_257 : i32
        %swap3A_259 = arith.index_cast %add3A_258 : i32 to index
        %swap3A_260 = arith.constant 32 : index
        %swap3A_261 = tpu.vector_load %arg9[%swap3A_259, %swap3A_260] {strides = array<i32>} : memref<128x128xf32, #tpu.memory_space<vmem>>, vector<1x16xf32>,
        %swap3A_262 = vector.shape_cast %swap3A_261 : vector<1x16xf32> to vector<16xf32>
        %swap3A_263 = vector.shape_cast %mul3A_254 : vector<16xf32> to vector<1x16xf32>
        tpu.vector_store %arg9[%swap3A_259, %swap3A_260], %swap3A_263 {strides = array<i32>} : memref<128x128xf32, #tpu.memory_space<vmem>>, vector<1x16xf32>,
        %mul3A_264 = arith.constant 2 : i32
        %mul3A_265 = arith.muli %scan3A_205, %mul3A_264 : i32
        %add3A_266 = arith.constant 0 : i32
        %add3A_267 = arith.addi %mul3A_265, %add3A_266 : i32
        %get3A_268 = arith.index_cast %add3A_267 : i32 to index
        %get3A_269 = arith.constant 48 : index
        %get3A_270 = tpu.vector_load %arg9[%get3A_268, %get3A_269] {strides = array<i32>} : memref<128x128xf32, #tpu.memory_space<vmem>>, vector<1x16xf32>,
        %get3A_271 = vector.shape_cast %get3A_270 : vector<1x16xf32> to vector<16xf32>
        %mul3A_272 = arith.constant 11.3137083 : f32
        %mul3A_273 = vector.broadcast %mul3A_272 : f32 to vector<16xf32>
        %mul3A_274 = arith.mulf %get3A_271, %mul3A_273 : vector<16xf32>
        %mul3A_275 = arith.constant 2 : i32
        %mul3A_276 = arith.muli %scan3A_205, %mul3A_275 : i32
        %add3A_277 = arith.constant 0 : i32
        %add3A_278 = arith.addi %mul3A_276, %add3A_277 : i32
        %swap3A_279 = arith.index_cast %add3A_278 : i32 to index
        %swap3A_280 = arith.constant 48 : index
        %swap3A_281 = tpu.vector_load %arg9[%swap3A_279, %swap3A_280] {strides = array<i32>} : memref<128x128xf32, #tpu.memory_space<vmem>>, vector<1x16xf32>,
        %swap3A_282 = vector.shape_cast %swap3A_281 : vector<1x16xf32> to vector<16xf32>
        %swap3A_283 = vector.shape_cast %mul3A_274 : vector<16xf32> to vector<1x16xf32>
        tpu.vector_store %arg9[%swap3A_279, %swap3A_280], %swap3A_283 {strides = array<i32>} : memref<128x128xf32, #tpu.memory_space<vmem>>, vector<1x16xf32>,
        %mul3A_284 = arith.constant 2 : i32
        %mul3A_285 = arith.muli %scan3A_205, %mul3A_284 : i32
        %add3A_286 = arith.constant 0 : i32
        %add3A_287 = arith.addi %mul3A_285, %add3A_286 : i32
        %get3A_288 = arith.index_cast %add3A_287 : i32 to index
        %get3A_289 = arith.constant 64 : index
        %get3A_290 = tpu.vector_load %arg9[%get3A_288, %get3A_289] {strides = array<i32>} : memref<128x128xf32, #tpu.memory_space<vmem>>, vector<1x16xf32>,
        %get3A_291 = vector.shape_cast %get3A_290 : vector<1x16xf32> to vector<16xf32>
        %mul3A_292 = arith.constant 11.3137083 : f32
        %mul3A_293 = vector.broadcast %mul3A_292 : f32 to vector<16xf32>
        %mul3A_294 = arith.mulf %get3A_291, %mul3A_293 : vector<16xf32>
        %mul3A_295 = arith.constant 2 : i32
        %mul3A_296 = arith.muli %scan3A_205, %mul3A_295 : i32
        %add3A_297 = arith.constant 0 : i32
        %add3A_298 = arith.addi %mul3A_296, %add3A_297 : i32
        %swap3A_299 = arith.index_cast %add3A_298 : i32 to index
        %swap3A_300 = arith.constant 64 : index
        %swap3A_301 = tpu.vector_load %arg9[%swap3A_299, %swap3A_300] {strides = array<i32>} : memref<128x128xf32, #tpu.memory_space<vmem>>, vector<1x16xf32>,
        %swap3A_302 = vector.shape_cast %swap3A_301 : vector<1x16xf32> to vector<16xf32>
        %swap3A_303 = vector.shape_cast %mul3A_294 : vector<16xf32> to vector<1x16xf32>
        tpu.vector_store %arg9[%swap3A_299, %swap3A_300], %swap3A_303 {strides = array<i32>} : memref<128x128xf32, #tpu.memory_space<vmem>>, vector<1x16xf32>,
        %mul3A_304 = arith.constant 2 : i32
        %mul3A_305 = arith.muli %scan3A_205, %mul3A_304 : i32
        %add3A_306 = arith.constant 0 : i32
        %add3A_307 = arith.addi %mul3A_305, %add3A_306 : i32
        %get3A_308 = arith.index_cast %add3A_307 : i32 to index
        %get3A_309 = arith.constant 80 : index
        %get3A_310 = tpu.vector_load %arg9[%get3A_308, %get3A_309] {strides = array<i32>} : memref<128x128xf32, #tpu.memory_space<vmem>>, vector<1x16xf32>,
        %get3A_311 = vector.shape_cast %get3A_310 : vector<1x16xf32> to vector<16xf32>
        %mul3A_312 = arith.constant 11.3137083 : f32
        %mul3A_313 = vector.broadcast %mul3A_312 : f32 to vector<16xf32>
        %mul3A_314 = arith.mulf %get3A_311, %mul3A_313 : vector<16xf32>
        %mul3A_315 = arith.constant 2 : i32
        %mul3A_316 = arith.muli %scan3A_205, %mul3A_315 : i32
        %add3A_317 = arith.constant 0 : i32
        %add3A_318 = arith.addi %mul3A_316, %add3A_317 : i32
        %swap3A_319 = arith.index_cast %add3A_318 : i32 to index
        %swap3A_320 = arith.constant 80 : index
        %swap3A_321 = tpu.vector_load %arg9[%swap3A_319, %swap3A_320] {strides = array<i32>} : memref<128x128xf32, #tpu.memory_space<vmem>>, vector<1x16xf32>,
        %swap3A_322 = vector.shape_cast %swap3A_321 : vector<1x16xf32> to vector<16xf32>
        %swap3A_323 = vector.shape_cast %mul3A_314 : vector<16xf32> to vector<1x16xf32>
        tpu.vector_store %arg9[%swap3A_319, %swap3A_320], %swap3A_323 {strides = array<i32>} : memref<128x128xf32, #tpu.memory_space<vmem>>, vector<1x16xf32>,
        %mul3A_324 = arith.constant 2 : i32
        %mul3A_325 = arith.muli %scan3A_205, %mul3A_324 : i32
        %add3A_326 = arith.constant 0 : i32
        %add3A_327 = arith.addi %mul3A_325, %add3A_326 : i32
        %get3A_328 = arith.index_cast %add3A_327 : i32 to index
        %get3A_329 = arith.constant 96 : index
        %get3A_330 = tpu.vector_load %arg9[%get3A_328, %get3A_329] {strides = array<i32>} : memref<128x128xf32, #tpu.memory_space<vmem>>, vector<1x16xf32>,
        %get3A_331 = vector.shape_cast %get3A_330 : vector<1x16xf32> to vector<16xf32>
        %mul3A_332 = arith.constant 11.3137083 : f32
        %mul3A_333 = vector.broadcast %mul3A_332 : f32 to vector<16xf32>
        %mul3A_334 = arith.mulf %get3A_331, %mul3A_333 : vector<16xf32>
        %mul3A_335 = arith.constant 2 : i32
        %mul3A_336 = arith.muli %scan3A_205, %mul3A_335 : i32
        %add3A_337 = arith.constant 0 : i32
        %add3A_338 = arith.addi %mul3A_336, %add3A_337 : i32
        %swap3A_339 = arith.index_cast %add3A_338 : i32 to index
        %swap3A_340 = arith.constant 96 : index
        %swap3A_341 = tpu.vector_load %arg9[%swap3A_339, %swap3A_340] {strides = array<i32>} : memref<128x128xf32, #tpu.memory_space<vmem>>, vector<1x16xf32>,
        %swap3A_342 = vector.shape_cast %swap3A_341 : vector<1x16xf32> to vector<16xf32>
        %swap3A_343 = vector.shape_cast %mul3A_334 : vector<16xf32> to vector<1x16xf32>
        tpu.vector_store %arg9[%swap3A_339, %swap3A_340], %swap3A_343 {strides = array<i32>} : memref<128x128xf32, #tpu.memory_space<vmem>>, vector<1x16xf32>,
        %mul3A_344 = arith.constant 2 : i32
        %mul3A_345 = arith.muli %scan3A_205, %mul3A_344 : i32
        %add3A_346 = arith.constant 0 : i32
        %add3A_347 = arith.addi %mul3A_345, %add3A_346 : i32
        %get3A_348 = arith.index_cast %add3A_347 : i32 to index
        %get3A_349 = arith.constant 112 : index
        %get3A_350 = tpu.vector_load %arg9[%get3A_348, %get3A_349] {strides = array<i32>} : memref<128x128xf32, #tpu.memory_space<vmem>>, vector<1x16xf32>,
        %get3A_351 = vector.shape_cast %get3A_350 : vector<1x16xf32> to vector<16xf32>
        %mul3A_352 = arith.constant 11.3137083 : f32
        %mul3A_353 = vector.broadcast %mul3A_352 : f32 to vector<16xf32>
        %mul3A_354 = arith.mulf %get3A_351, %mul3A_353 : vector<16xf32>
        %mul3A_355 = arith.constant 2 : i32
        %mul3A_356 = arith.muli %scan3A_205, %mul3A_355 : i32
        %add3A_357 = arith.constant 0 : i32
        %add3A_358 = arith.addi %mul3A_356, %add3A_357 : i32
        %swap3A_359 = arith.index_cast %add3A_358 : i32 to index
        %swap3A_360 = arith.constant 112 : index
        %swap3A_361 = tpu.vector_load %arg9[%swap3A_359, %swap3A_360] {strides = array<i32>} : memref<128x128xf32, #tpu.memory_space<vmem>>, vector<1x16xf32>,
        %swap3A_362 = vector.shape_cast %swap3A_361 : vector<1x16xf32> to vector<16xf32>
        %swap3A_363 = vector.shape_cast %mul3A_354 : vector<16xf32> to vector<1x16xf32>
        tpu.vector_store %arg9[%swap3A_359, %swap3A_360], %swap3A_363 {strides = array<i32>} : memref<128x128xf32, #tpu.memory_space<vmem>>, vector<1x16xf32>,
        %mul3A_364 = arith.constant 2 : i32
        %mul3A_365 = arith.muli %scan3A_205, %mul3A_364 : i32
        %add3A_366 = arith.constant 1 : i32
        %add3A_367 = arith.addi %mul3A_365, %add3A_366 : i32
        %get3A_368 = arith.index_cast %add3A_367 : i32 to index
        %get3A_369 = arith.constant 0 : index
        %get3A_370 = tpu.vector_load %arg9[%get3A_368, %get3A_369] {strides = array<i32>} : memref<128x128xf32, #tpu.memory_space<vmem>>, vector<1x16xf32>,
        %get3A_371 = vector.shape_cast %get3A_370 : vector<1x16xf32> to vector<16xf32>
        %mul3A_372 = arith.constant 11.3137083 : f32
        %mul3A_373 = vector.broadcast %mul3A_372 : f32 to vector<16xf32>
        %mul3A_374 = arith.mulf %get3A_371, %mul3A_373 : vector<16xf32>
        %mul3A_375 = arith.constant 2 : i32
        %mul3A_376 = arith.muli %scan3A_205, %mul3A_375 : i32
        %add3A_377 = arith.constant 1 : i32
        %add3A_378 = arith.addi %mul3A_376, %add3A_377 : i32
        %swap3A_379 = arith.index_cast %add3A_378 : i32 to index
        %swap3A_380 = arith.constant 0 : index
        %swap3A_381 = tpu.vector_load %arg9[%swap3A_379, %swap3A_380] {strides = array<i32>} : memref<128x128xf32, #tpu.memory_space<vmem>>, vector<1x16xf32>,
        %swap3A_382 = vector.shape_cast %swap3A_381 : vector<1x16xf32> to vector<16xf32>
        %swap3A_383 = vector.shape_cast %mul3A_374 : vector<16xf32> to vector<1x16xf32>
        tpu.vector_store %arg9[%swap3A_379, %swap3A_380], %swap3A_383 {strides = array<i32>} : memref<128x128xf32, #tpu.memory_space<vmem>>, vector<1x16xf32>,
        %mul3A_384 = arith.constant 2 : i32
        %mul3A_385 = arith.muli %scan3A_205, %mul3A_384 : i32
        %add3A_386 = arith.constant 1 : i32
        %add3A_387 = arith.addi %mul3A_385, %add3A_386 : i32
        %get3A_388 = arith.index_cast %add3A_387 : i32 to index
        %get3A_389 = arith.constant 16 : index
        %get3A_390 = tpu.vector_load %arg9[%get3A_388, %get3A_389] {strides = array<i32>} : memref<128x128xf32, #tpu.memory_space<vmem>>, vector<1x16xf32>,
        %get3A_391 = vector.shape_cast %get3A_390 : vector<1x16xf32> to vector<16xf32>
        %mul3A_392 = arith.constant 11.3137083 : f32
        %mul3A_393 = vector.broadcast %mul3A_392 : f32 to vector<16xf32>
        %mul3A_394 = arith.mulf %get3A_391, %mul3A_393 : vector<16xf32>
        %mul3A_395 = arith.constant 2 : i32
        %mul3A_396 = arith.muli %scan3A_205, %mul3A_395 : i32
        %add3A_397 = arith.constant 1 : i32
        %add3A_398 = arith.addi %mul3A_396, %add3A_397 : i32
        %swap3A_399 = arith.index_cast %add3A_398 : i32 to index
        %swap3A_400 = arith.constant 16 : index
        %swap3A_401 = tpu.vector_load %arg9[%swap3A_399, %swap3A_400] {strides = array<i32>} : memref<128x128xf32, #tpu.memory_space<vmem>>, vector<1x16xf32>,
        %swap3A_402 = vector.shape_cast %swap3A_401 : vector<1x16xf32> to vector<16xf32>
        %swap3A_403 = vector.shape_cast %mul3A_394 : vector<16xf32> to vector<1x16xf32>
        tpu.vector_store %arg9[%swap3A_399, %swap3A_400], %swap3A_403 {strides = array<i32>} : memref<128x128xf32, #tpu.memory_space<vmem>>, vector<1x16xf32>,
        %mul3A_404 = arith.constant 2 : i32
        %mul3A_405 = arith.muli %scan3A_205, %mul3A_404 : i32
        %add3A_406 = arith.constant 1 : i32
        %add3A_407 = arith.addi %mul3A_405, %add3A_406 : i32
        %get3A_408 = arith.index_cast %add3A_407 : i32 to index
        %get3A_409 = arith.constant 32 : index
        %get3A_410 = tpu.vector_load %arg9[%get3A_408, %get3A_409] {strides = array<i32>} : memref<128x128xf32, #tpu.memory_space<vmem>>, vector<1x16xf32>,
        %get3A_411 = vector.shape_cast %get3A_410 : vector<1x16xf32> to vector<16xf32>
        %mul3A_412 = arith.constant 11.3137083 : f32
        %mul3A_413 = vector.broadcast %mul3A_412 : f32 to vector<16xf32>
        %mul3A_414 = arith.mulf %get3A_411, %mul3A_413 : vector<16xf32>
        %mul3A_415 = arith.constant 2 : i32
        %mul3A_416 = arith.muli %scan3A_205, %mul3A_415 : i32
        %add3A_417 = arith.constant 1 : i32
        %add3A_418 = arith.addi %mul3A_416, %add3A_417 : i32
        %swap3A_419 = arith.index_cast %add3A_418 : i32 to index
        %swap3A_420 = arith.constant 32 : index
        %swap3A_421 = tpu.vector_load %arg9[%swap3A_419, %swap3A_420] {strides = array<i32>} : memref<128x128xf32, #tpu.memory_space<vmem>>, vector<1x16xf32>,
        %swap3A_422 = vector.shape_cast %swap3A_421 : vector<1x16xf32> to vector<16xf32>
        %swap3A_423 = vector.shape_cast %mul3A_414 : vector<16xf32> to vector<1x16xf32>
        tpu.vector_store %arg9[%swap3A_419, %swap3A_420], %swap3A_423 {strides = array<i32>} : memref<128x128xf32, #tpu.memory_space<vmem>>, vector<1x16xf32>,
        %mul3A_424 = arith.constant 2 : i32
        %mul3A_425 = arith.muli %scan3A_205, %mul3A_424 : i32
        %add3A_426 = arith.constant 1 : i32
        %add3A_427 = arith.addi %mul3A_425, %add3A_426 : i32
        %get3A_428 = arith.index_cast %add3A_427 : i32 to index
        %get3A_429 = arith.constant 48 : index
        %get3A_430 = tpu.vector_load %arg9[%get3A_428, %get3A_429] {strides = array<i32>} : memref<128x128xf32, #tpu.memory_space<vmem>>, vector<1x16xf32>,
        %get3A_431 = vector.shape_cast %get3A_430 : vector<1x16xf32> to vector<16xf32>
        %mul3A_432 = arith.constant 11.3137083 : f32
        %mul3A_433 = vector.broadcast %mul3A_432 : f32 to vector<16xf32>
        %mul3A_434 = arith.mulf %get3A_431, %mul3A_433 : vector<16xf32>
        %mul3A_435 = arith.constant 2 : i32
        %mul3A_436 = arith.muli %scan3A_205, %mul3A_435 : i32
        %add3A_437 = arith.constant 1 : i32
        %add3A_438 = arith.addi %mul3A_436, %add3A_437 : i32
        %swap3A_439 = arith.index_cast %add3A_438 : i32 to index
        %swap3A_440 = arith.constant 48 : index
        %swap3A_441 = tpu.vector_load %arg9[%swap3A_439, %swap3A_440] {strides = array<i32>} : memref<128x128xf32, #tpu.memory_space<vmem>>, vector<1x16xf32>,
        %swap3A_442 = vector.shape_cast %swap3A_441 : vector<1x16xf32> to vector<16xf32>
        %swap3A_443 = vector.shape_cast %mul3A_434 : vector<16xf32> to vector<1x16xf32>
        tpu.vector_store %arg9[%swap3A_439, %swap3A_440], %swap3A_443 {strides = array<i32>} : memref<128x128xf32, #tpu.memory_space<vmem>>, vector<1x16xf32>,
        %mul3A_444 = arith.constant 2 : i32
        %mul3A_445 = arith.muli %scan3A_205, %mul3A_444 : i32
        %add3A_446 = arith.constant 1 : i32
        %add3A_447 = arith.addi %mul3A_445, %add3A_446 : i32
        %get3A_448 = arith.index_cast %add3A_447 : i32 to index
        %get3A_449 = arith.constant 64 : index
        %get3A_450 = tpu.vector_load %arg9[%get3A_448, %get3A_449] {strides = array<i32>} : memref<128x128xf32, #tpu.memory_space<vmem>>, vector<1x16xf32>,
        %get3A_451 = vector.shape_cast %get3A_450 : vector<1x16xf32> to vector<16xf32>
        %mul3A_452 = arith.constant 11.3137083 : f32
        %mul3A_453 = vector.broadcast %mul3A_452 : f32 to vector<16xf32>
        %mul3A_454 = arith.mulf %get3A_451, %mul3A_453 : vector<16xf32>
        %mul3A_455 = arith.constant 2 : i32
        %mul3A_456 = arith.muli %scan3A_205, %mul3A_455 : i32
        %add3A_457 = arith.constant 1 : i32
        %add3A_458 = arith.addi %mul3A_456, %add3A_457 : i32
        %swap3A_459 = arith.index_cast %add3A_458 : i32 to index
        %swap3A_460 = arith.constant 64 : index
        %swap3A_461 = tpu.vector_load %arg9[%swap3A_459, %swap3A_460] {strides = array<i32>} : memref<128x128xf32, #tpu.memory_space<vmem>>, vector<1x16xf32>,
        %swap3A_462 = vector.shape_cast %swap3A_461 : vector<1x16xf32> to vector<16xf32>
        %swap3A_463 = vector.shape_cast %mul3A_454 : vector<16xf32> to vector<1x16xf32>
        tpu.vector_store %arg9[%swap3A_459, %swap3A_460], %swap3A_463 {strides = array<i32>} : memref<128x128xf32, #tpu.memory_space<vmem>>, vector<1x16xf32>,
        %mul3A_464 = arith.constant 2 : i32
        %mul3A_465 = arith.muli %scan3A_205, %mul3A_464 : i32
        %add3A_466 = arith.constant 1 : i32
        %add3A_467 = arith.addi %mul3A_465, %add3A_466 : i32
        %get3A_468 = arith.index_cast %add3A_467 : i32 to index
        %get3A_469 = arith.constant 80 : index
        %get3A_470 = tpu.vector_load %arg9[%get3A_468, %get3A_469] {strides = array<i32>} : memref<128x128xf32, #tpu.memory_space<vmem>>, vector<1x16xf32>,
        %get3A_471 = vector.shape_cast %get3A_470 : vector<1x16xf32> to vector<16xf32>
        %mul3A_472 = arith.constant 11.3137083 : f32
        %mul3A_473 = vector.broadcast %mul3A_472 : f32 to vector<16xf32>
        %mul3A_474 = arith.mulf %get3A_471, %mul3A_473 : vector<16xf32>
        %mul3A_475 = arith.constant 2 : i32
        %mul3A_476 = arith.muli %scan3A_205, %mul3A_475 : i32
        %add3A_477 = arith.constant 1 : i32
        %add3A_478 = arith.addi %mul3A_476, %add3A_477 : i32
        %swap3A_479 = arith.index_cast %add3A_478 : i32 to index
        %swap3A_480 = arith.constant 80 : index
        %swap3A_481 = tpu.vector_load %arg9[%swap3A_479, %swap3A_480] {strides = array<i32>} : memref<128x128xf32, #tpu.memory_space<vmem>>, vector<1x16xf32>,
        %swap3A_482 = vector.shape_cast %swap3A_481 : vector<1x16xf32> to vector<16xf32>
        %swap3A_483 = vector.shape_cast %mul3A_474 : vector<16xf32> to vector<1x16xf32>
        tpu.vector_store %arg9[%swap3A_479, %swap3A_480], %swap3A_483 {strides = array<i32>} : memref<128x128xf32, #tpu.memory_space<vmem>>, vector<1x16xf32>,
        %mul3A_484 = arith.constant 2 : i32
        %mul3A_485 = arith.muli %scan3A_205, %mul3A_484 : i32
        %add3A_486 = arith.constant 1 : i32
        %add3A_487 = arith.addi %mul3A_485, %add3A_486 : i32
        %get3A_488 = arith.index_cast %add3A_487 : i32 to index
        %get3A_489 = arith.constant 96 : index
        %get3A_490 = tpu.vector_load %arg9[%get3A_488, %get3A_489] {strides = array<i32>} : memref<128x128xf32, #tpu.memory_space<vmem>>, vector<1x16xf32>,
        %get3A_491 = vector.shape_cast %get3A_490 : vector<1x16xf32> to vector<16xf32>
        %mul3A_492 = arith.constant 11.3137083 : f32
        %mul3A_493 = vector.broadcast %mul3A_492 : f32 to vector<16xf32>
        %mul3A_494 = arith.mulf %get3A_491, %mul3A_493 : vector<16xf32>
        %mul3A_495 = arith.constant 2 : i32
        %mul3A_496 = arith.muli %scan3A_205, %mul3A_495 : i32
        %add3A_497 = arith.constant 1 : i32
        %add3A_498 = arith.addi %mul3A_496, %add3A_497 : i32
        %swap3A_499 = arith.index_cast %add3A_498 : i32 to index
        %swap3A_500 = arith.constant 96 : index
        %swap3A_501 = tpu.vector_load %arg9[%swap3A_499, %swap3A_500] {strides = array<i32>} : memref<128x128xf32, #tpu.memory_space<vmem>>, vector<1x16xf32>,
        %swap3A_502 = vector.shape_cast %swap3A_501 : vector<1x16xf32> to vector<16xf32>
        %swap3A_503 = vector.shape_cast %mul3A_494 : vector<16xf32> to vector<1x16xf32>
        tpu.vector_store %arg9[%swap3A_499, %swap3A_500], %swap3A_503 {strides = array<i32>} : memref<128x128xf32, #tpu.memory_space<vmem>>, vector<1x16xf32>,
        %mul3A_504 = arith.constant 2 : i32
        %mul3A_505 = arith.muli %scan3A_205, %mul3A_504 : i32
        %add3A_506 = arith.constant 1 : i32
        %add3A_507 = arith.addi %mul3A_505, %add3A_506 : i32
        %get3A_508 = arith.index_cast %add3A_507 : i32 to index
        %get3A_509 = arith.constant 112 : index
        %get3A_510 = tpu.vector_load %arg9[%get3A_508, %get3A_509] {strides = array<i32>} : memref<128x128xf32, #tpu.memory_space<vmem>>, vector<1x16xf32>,
        %get3A_511 = vector.shape_cast %get3A_510 : vector<1x16xf32> to vector<16xf32>
        %mul3A_512 = arith.constant 11.3137083 : f32
        %mul3A_513 = vector.broadcast %mul3A_512 : f32 to vector<16xf32>
        %mul3A_514 = arith.mulf %get3A_511, %mul3A_513 : vector<16xf32>
        %mul3A_515 = arith.constant 2 : i32
        %mul3A_516 = arith.muli %scan3A_205, %mul3A_515 : i32
        %add3A_517 = arith.constant 1 : i32
        %add3A_518 = arith.addi %mul3A_516, %add3A_517 : i32
        %swap3A_519 = arith.index_cast %add3A_518 : i32 to index
        %swap3A_520 = arith.constant 112 : index
        %swap3A_521 = tpu.vector_load %arg9[%swap3A_519, %swap3A_520] {strides = array<i32>} : memref<128x128xf32, #tpu.memory_space<vmem>>, vector<1x16xf32>,
        %swap3A_522 = vector.shape_cast %swap3A_521 : vector<1x16xf32> to vector<16xf32>
        %swap3A_523 = vector.shape_cast %mul3A_514 : vector<16xf32> to vector<1x16xf32>
        tpu.vector_store %arg9[%swap3A_519, %swap3A_520], %swap3A_523 {strides = array<i32>} : memref<128x128xf32, #tpu.memory_space<vmem>>, vector<1x16xf32>,
      }
      %scan3A_171 = arith.constant 64 : i32
      %dma_start3A_172 = arith.constant 0 : i32
      %dma_start3A_173 = tpu.memref_slice %arg4[%add3A_152, %mul3A_2, %dma_start3A_172] : memref<50x4096x128xf32, #tpu.memory_space<hbm>> -> memref<1x128x128xf32, #tpu.memory_space<hbm>>
      %dma_start3A_174 = tpu.memref_squeeze %dma_start3A_173 : memref<1x128x128xf32, #tpu.memory_space<hbm>> -> memref<128x128xf32, #tpu.memory_space<hbm>>
      %dma_start3A_175 = arith.constant 0 : i32
      %dma_start3A_176 = tpu.memref_slice %arg4[%add3A_152, %mul3A_2, %dma_start3A_175] : memref<50x4096x128xf32, #tpu.memory_space<hbm>> -> memref<1x128x128xf32, #tpu.memory_space<hbm>>
      %dma_start3A_177 = tpu.memref_squeeze %dma_start3A_176 : memref<1x128x128xf32, #tpu.memory_space<hbm>> -> memref<128x128xf32, #tpu.memory_space<hbm>>
      tpu.enqueue_dma source(%arg9 : memref<128x128xf32, #tpu.memory_space<vmem>>) target(%dma_start3A_177 : memref<128x128xf32, #tpu.memory_space<hbm>>) target_semaphore(%arg19 : memref<!tpu.dma_semaphore, #tpu.memory_space<semaphore_mem>>)
      %add3A_178 = arith.constant 4 : i32
      %add3A_179 = arith.addi %mul3A_72, %add3A_178 : i32
      %add3A_180 = arith.constant 3 : i32
      %add3A_181 = arith.addi %add3A_179, %add3A_180 : i32
      %lt3A_182 = arith.constant 50 : i32
      %lt3A_183 = arith.cmpi slt, %add3A_181, %lt3A_182 : i32
      %convert_element_type3A_184 = arith.extui %lt3A_183 : i1 to i32
      %cond3A_185 = arith.constant 0 : i32
      %cond3A_186 = arith.cmpi ne, %convert_element_type3A_184, %cond3A_185 : i32
      scf.if %cond3A_186 {
        %ge3A = arith.constant 2 : i32
        %ge3A_205 = arith.cmpi sge, %add3A_179, %ge3A : i32
        %convert_element_type3A_206 = arith.extui %ge3A_205 : i1 to i32
        %cond3A_207 = arith.constant 0 : i32
        %cond3A_208 = arith.cmpi ne, %convert_element_type3A_206, %cond3A_207 : i32
        scf.if %cond3A_208 {
          %dma_wait3A_215 = arith.constant 0 : i32
          %dma_wait3A_216 = arith.constant 0 : i32
          %dma_wait3A_217 = arith.constant 0 : i32
          %dma_wait3A_218 = tpu.memref_slice %arg4[%dma_wait3A_215, %dma_wait3A_216, %dma_wait3A_217] : memref<50x4096x128xf32, #tpu.memory_space<hbm>> -> memref<1x128x128xf32, #tpu.memory_space<hbm>>
          %dma_wait3A_219 = tpu.memref_squeeze %dma_wait3A_218 : memref<1x128x128xf32, #tpu.memory_space<hbm>> -> memref<128x128xf32, #tpu.memory_space<hbm>>
          %dma_wait3A_220 = arith.constant 0 : i32
          %dma_wait3A_221 = arith.constant 0 : i32
          %dma_wait3A_222 = tpu.memref_slice %arg4[%dma_wait3A_215, %dma_wait3A_220, %dma_wait3A_221] : memref<50x4096x128xf32, #tpu.memory_space<hbm>> -> memref<1x128x128xf32, #tpu.memory_space<hbm>>
          %dma_wait3A_223 = tpu.memref_squeeze %dma_wait3A_222 : memref<1x128x128xf32, #tpu.memory_space<hbm>> -> memref<128x128xf32, #tpu.memory_space<hbm>>
          tpu.wait_dma2 semaphore(%arg18 : memref<!tpu.dma_semaphore, #tpu.memory_space<semaphore_mem>>) src(%arg8 : memref<128x128xf32, #tpu.memory_space<vmem>>) dst(%dma_wait3A_223 : memref<128x128xf32, #tpu.memory_space<hbm>>)
        } else {
        }
        %mul3A_209 = arith.constant 128 : i32
        %mul3A_210 = arith.muli %add3A_181, %mul3A_209 : i32
        %dma_start3A_211 = tpu.memref_slice %arg5[%mul3A_210] : memref<6400xi32, #tpu.memory_space<vmem>> -> memref<128xi32, #tpu.memory_space<vmem>>
        %dma_start3A_212 = arith.constant 0 : i32
        %dma_start3A_213 = arith.constant 0 : i32
        %dma_start3A_214 = tpu.memref_slice %arg3[%dma_start3A_212, %dma_start3A_213] : memref<100000x128xf32, #tpu.memory_space<hbm>> -> memref<100000x128xf32, #tpu.memory_space<hbm>>
        tpu.enqueue_indirect_dma source(%dma_start3A_214 : memref<100000x128xf32, #tpu.memory_space<hbm>>) target(%arg8 : memref<128x128xf32, #tpu.memory_space<vmem>>) offsets(%dma_start3A_211 : memref<128xi32, #tpu.memory_space<vmem>>) semaphore(%arg13 : memref<!tpu.dma_semaphore, #tpu.memory_space<semaphore_mem>>)
      } else {
      }
      %dma_wait3A_187 = arith.constant 0 : i32
      %dma_wait3A_188 = arith.constant 0 : i32
      %dma_wait3A_189 = tpu.memref_slice %arg3[%dma_wait3A_187, %dma_wait3A_188] : memref<100000x128xf32, #tpu.memory_space<hbm>> -> memref<128x128xf32, #tpu.memory_space<hbm>>
      %dma_wait3A_190 = arith.constant 0 : i32
      %dma_wait3A_191 = arith.constant 0 : i32
      %dma_wait3A_192 = tpu.memref_slice %arg3[%dma_wait3A_190, %dma_wait3A_191] : memref<100000x128xf32, #tpu.memory_space<hbm>> -> memref<128x128xf32, #tpu.memory_space<hbm>>
      tpu.wait_dma2 semaphore(%arg15 : memref<!tpu.dma_semaphore, #tpu.memory_space<semaphore_mem>>) src(%dma_wait3A_192 : memref<128x128xf32, #tpu.memory_space<hbm>>) dst(%arg10 : memref<128x128xf32, #tpu.memory_space<vmem>>)
      %scan3A_193 = arith.constant 0 : i32
      %scan3A_194 = arith.constant 0 : i32
      %scan3A_195 = arith.constant 64 : i32
      %scan3A_196 = arith.addi %scan3A_194, %scan3A_195 : i32
      %scan3A_197 = arith.constant 1 : i32
      scf.for %scan3A_205 = %scan3A_194 to %scan3A_196 step %scan3A_197  : i32 {
        %mul3A_206 = arith.constant 2 : i32
        %mul3A_207 = arith.muli %scan3A_205, %mul3A_206 : i32
        %add3A_208 = arith.constant 0 : i32
        %add3A_209 = arith.addi %mul3A_207, %add3A_208 : i32
        %get3A = arith.index_cast %add3A_209 : i32 to index
        %get3A_210 = arith.constant 0 : index
        %get3A_211 = tpu.vector_load %arg10[%get3A, %get3A_210] {strides = array<i32>} : memref<128x128xf32, #tpu.memory_space<vmem>>, vector<1x16xf32>,
        %get3A_212 = vector.shape_cast %get3A_211 : vector<1x16xf32> to vector<16xf32>
        %mul3A_213 = arith.constant 11.3137083 : f32
        %mul3A_214 = vector.broadcast %mul3A_213 : f32 to vector<16xf32>
        %mul3A_215 = arith.mulf %get3A_212, %mul3A_214 : vector<16xf32>
        %mul3A_216 = arith.constant 2 : i32
        %mul3A_217 = arith.muli %scan3A_205, %mul3A_216 : i32
        %add3A_218 = arith.constant 0 : i32
        %add3A_219 = arith.addi %mul3A_217, %add3A_218 : i32
        %swap3A = arith.index_cast %add3A_219 : i32 to index
        %swap3A_220 = arith.constant 0 : index
        %swap3A_221 = tpu.vector_load %arg10[%swap3A, %swap3A_220] {strides = array<i32>} : memref<128x128xf32, #tpu.memory_space<vmem>>, vector<1x16xf32>,
        %swap3A_222 = vector.shape_cast %swap3A_221 : vector<1x16xf32> to vector<16xf32>
        %swap3A_223 = vector.shape_cast %mul3A_215 : vector<16xf32> to vector<1x16xf32>
        tpu.vector_store %arg10[%swap3A, %swap3A_220], %swap3A_223 {strides = array<i32>} : memref<128x128xf32, #tpu.memory_space<vmem>>, vector<1x16xf32>,
        %mul3A_224 = arith.constant 2 : i32
        %mul3A_225 = arith.muli %scan3A_205, %mul3A_224 : i32
        %add3A_226 = arith.constant 0 : i32
        %add3A_227 = arith.addi %mul3A_225, %add3A_226 : i32
        %get3A_228 = arith.index_cast %add3A_227 : i32 to index
        %get3A_229 = arith.constant 16 : index
        %get3A_230 = tpu.vector_load %arg10[%get3A_228, %get3A_229] {strides = array<i32>} : memref<128x128xf32, #tpu.memory_space<vmem>>, vector<1x16xf32>,
        %get3A_231 = vector.shape_cast %get3A_230 : vector<1x16xf32> to vector<16xf32>
        %mul3A_232 = arith.constant 11.3137083 : f32
        %mul3A_233 = vector.broadcast %mul3A_232 : f32 to vector<16xf32>
        %mul3A_234 = arith.mulf %get3A_231, %mul3A_233 : vector<16xf32>
        %mul3A_235 = arith.constant 2 : i32
        %mul3A_236 = arith.muli %scan3A_205, %mul3A_235 : i32
        %add3A_237 = arith.constant 0 : i32
        %add3A_238 = arith.addi %mul3A_236, %add3A_237 : i32
        %swap3A_239 = arith.index_cast %add3A_238 : i32 to index
        %swap3A_240 = arith.constant 16 : index
        %swap3A_241 = tpu.vector_load %arg10[%swap3A_239, %swap3A_240] {strides = array<i32>} : memref<128x128xf32, #tpu.memory_space<vmem>>, vector<1x16xf32>,
        %swap3A_242 = vector.shape_cast %swap3A_241 : vector<1x16xf32> to vector<16xf32>
        %swap3A_243 = vector.shape_cast %mul3A_234 : vector<16xf32> to vector<1x16xf32>
        tpu.vector_store %arg10[%swap3A_239, %swap3A_240], %swap3A_243 {strides = array<i32>} : memref<128x128xf32, #tpu.memory_space<vmem>>, vector<1x16xf32>,
        %mul3A_244 = arith.constant 2 : i32
        %mul3A_245 = arith.muli %scan3A_205, %mul3A_244 : i32
        %add3A_246 = arith.constant 0 : i32
        %add3A_247 = arith.addi %mul3A_245, %add3A_246 : i32
        %get3A_248 = arith.index_cast %add3A_247 : i32 to index
        %get3A_249 = arith.constant 32 : index
        %get3A_250 = tpu.vector_load %arg10[%get3A_248, %get3A_249] {strides = array<i32>} : memref<128x128xf32, #tpu.memory_space<vmem>>, vector<1x16xf32>,
        %get3A_251 = vector.shape_cast %get3A_250 : vector<1x16xf32> to vector<16xf32>
        %mul3A_252 = arith.constant 11.3137083 : f32
        %mul3A_253 = vector.broadcast %mul3A_252 : f32 to vector<16xf32>
        %mul3A_254 = arith.mulf %get3A_251, %mul3A_253 : vector<16xf32>
        %mul3A_255 = arith.constant 2 : i32
        %mul3A_256 = arith.muli %scan3A_205, %mul3A_255 : i32
        %add3A_257 = arith.constant 0 : i32
        %add3A_258 = arith.addi %mul3A_256, %add3A_257 : i32
        %swap3A_259 = arith.index_cast %add3A_258 : i32 to index
        %swap3A_260 = arith.constant 32 : index
        %swap3A_261 = tpu.vector_load %arg10[%swap3A_259, %swap3A_260] {strides = array<i32>} : memref<128x128xf32, #tpu.memory_space<vmem>>, vector<1x16xf32>,
        %swap3A_262 = vector.shape_cast %swap3A_261 : vector<1x16xf32> to vector<16xf32>
        %swap3A_263 = vector.shape_cast %mul3A_254 : vector<16xf32> to vector<1x16xf32>
        tpu.vector_store %arg10[%swap3A_259, %swap3A_260], %swap3A_263 {strides = array<i32>} : memref<128x128xf32, #tpu.memory_space<vmem>>, vector<1x16xf32>,
        %mul3A_264 = arith.constant 2 : i32
        %mul3A_265 = arith.muli %scan3A_205, %mul3A_264 : i32
        %add3A_266 = arith.constant 0 : i32
        %add3A_267 = arith.addi %mul3A_265, %add3A_266 : i32
        %get3A_268 = arith.index_cast %add3A_267 : i32 to index
        %get3A_269 = arith.constant 48 : index
        %get3A_270 = tpu.vector_load %arg10[%get3A_268, %get3A_269] {strides = array<i32>} : memref<128x128xf32, #tpu.memory_space<vmem>>, vector<1x16xf32>,
        %get3A_271 = vector.shape_cast %get3A_270 : vector<1x16xf32> to vector<16xf32>
        %mul3A_272 = arith.constant 11.3137083 : f32
        %mul3A_273 = vector.broadcast %mul3A_272 : f32 to vector<16xf32>
        %mul3A_274 = arith.mulf %get3A_271, %mul3A_273 : vector<16xf32>
        %mul3A_275 = arith.constant 2 : i32
        %mul3A_276 = arith.muli %scan3A_205, %mul3A_275 : i32
        %add3A_277 = arith.constant 0 : i32
        %add3A_278 = arith.addi %mul3A_276, %add3A_277 : i32
        %swap3A_279 = arith.index_cast %add3A_278 : i32 to index
        %swap3A_280 = arith.constant 48 : index
        %swap3A_281 = tpu.vector_load %arg10[%swap3A_279, %swap3A_280] {strides = array<i32>} : memref<128x128xf32, #tpu.memory_space<vmem>>, vector<1x16xf32>,
        %swap3A_282 = vector.shape_cast %swap3A_281 : vector<1x16xf32> to vector<16xf32>
        %swap3A_283 = vector.shape_cast %mul3A_274 : vector<16xf32> to vector<1x16xf32>
        tpu.vector_store %arg10[%swap3A_279, %swap3A_280], %swap3A_283 {strides = array<i32>} : memref<128x128xf32, #tpu.memory_space<vmem>>, vector<1x16xf32>,
        %mul3A_284 = arith.constant 2 : i32
        %mul3A_285 = arith.muli %scan3A_205, %mul3A_284 : i32
        %add3A_286 = arith.constant 0 : i32
        %add3A_287 = arith.addi %mul3A_285, %add3A_286 : i32
        %get3A_288 = arith.index_cast %add3A_287 : i32 to index
        %get3A_289 = arith.constant 64 : index
        %get3A_290 = tpu.vector_load %arg10[%get3A_288, %get3A_289] {strides = array<i32>} : memref<128x128xf32, #tpu.memory_space<vmem>>, vector<1x16xf32>,
        %get3A_291 = vector.shape_cast %get3A_290 : vector<1x16xf32> to vector<16xf32>
        %mul3A_292 = arith.constant 11.3137083 : f32
        %mul3A_293 = vector.broadcast %mul3A_292 : f32 to vector<16xf32>
        %mul3A_294 = arith.mulf %get3A_291, %mul3A_293 : vector<16xf32>
        %mul3A_295 = arith.constant 2 : i32
        %mul3A_296 = arith.muli %scan3A_205, %mul3A_295 : i32
        %add3A_297 = arith.constant 0 : i32
        %add3A_298 = arith.addi %mul3A_296, %add3A_297 : i32
        %swap3A_299 = arith.index_cast %add3A_298 : i32 to index
        %swap3A_300 = arith.constant 64 : index
        %swap3A_301 = tpu.vector_load %arg10[%swap3A_299, %swap3A_300] {strides = array<i32>} : memref<128x128xf32, #tpu.memory_space<vmem>>, vector<1x16xf32>,
        %swap3A_302 = vector.shape_cast %swap3A_301 : vector<1x16xf32> to vector<16xf32>
        %swap3A_303 = vector.shape_cast %mul3A_294 : vector<16xf32> to vector<1x16xf32>
        tpu.vector_store %arg10[%swap3A_299, %swap3A_300], %swap3A_303 {strides = array<i32>} : memref<128x128xf32, #tpu.memory_space<vmem>>, vector<1x16xf32>,
        %mul3A_304 = arith.constant 2 : i32
        %mul3A_305 = arith.muli %scan3A_205, %mul3A_304 : i32
        %add3A_306 = arith.constant 0 : i32
        %add3A_307 = arith.addi %mul3A_305, %add3A_306 : i32
        %get3A_308 = arith.index_cast %add3A_307 : i32 to index
        %get3A_309 = arith.constant 80 : index
        %get3A_310 = tpu.vector_load %arg10[%get3A_308, %get3A_309] {strides = array<i32>} : memref<128x128xf32, #tpu.memory_space<vmem>>, vector<1x16xf32>,
        %get3A_311 = vector.shape_cast %get3A_310 : vector<1x16xf32> to vector<16xf32>
        %mul3A_312 = arith.constant 11.3137083 : f32
        %mul3A_313 = vector.broadcast %mul3A_312 : f32 to vector<16xf32>
        %mul3A_314 = arith.mulf %get3A_311, %mul3A_313 : vector<16xf32>
        %mul3A_315 = arith.constant 2 : i32
        %mul3A_316 = arith.muli %scan3A_205, %mul3A_315 : i32
        %add3A_317 = arith.constant 0 : i32
        %add3A_318 = arith.addi %mul3A_316, %add3A_317 : i32
        %swap3A_319 = arith.index_cast %add3A_318 : i32 to index
        %swap3A_320 = arith.constant 80 : index
        %swap3A_321 = tpu.vector_load %arg10[%swap3A_319, %swap3A_320] {strides = array<i32>} : memref<128x128xf32, #tpu.memory_space<vmem>>, vector<1x16xf32>,
        %swap3A_322 = vector.shape_cast %swap3A_321 : vector<1x16xf32> to vector<16xf32>
        %swap3A_323 = vector.shape_cast %mul3A_314 : vector<16xf32> to vector<1x16xf32>
        tpu.vector_store %arg10[%swap3A_319, %swap3A_320], %swap3A_323 {strides = array<i32>} : memref<128x128xf32, #tpu.memory_space<vmem>>, vector<1x16xf32>,
        %mul3A_324 = arith.constant 2 : i32
        %mul3A_325 = arith.muli %scan3A_205, %mul3A_324 : i32
        %add3A_326 = arith.constant 0 : i32
        %add3A_327 = arith.addi %mul3A_325, %add3A_326 : i32
        %get3A_328 = arith.index_cast %add3A_327 : i32 to index
        %get3A_329 = arith.constant 96 : index
        %get3A_330 = tpu.vector_load %arg10[%get3A_328, %get3A_329] {strides = array<i32>} : memref<128x128xf32, #tpu.memory_space<vmem>>, vector<1x16xf32>,
        %get3A_331 = vector.shape_cast %get3A_330 : vector<1x16xf32> to vector<16xf32>
        %mul3A_332 = arith.constant 11.3137083 : f32
        %mul3A_333 = vector.broadcast %mul3A_332 : f32 to vector<16xf32>
        %mul3A_334 = arith.mulf %get3A_331, %mul3A_333 : vector<16xf32>
        %mul3A_335 = arith.constant 2 : i32
        %mul3A_336 = arith.muli %scan3A_205, %mul3A_335 : i32
        %add3A_337 = arith.constant 0 : i32
        %add3A_338 = arith.addi %mul3A_336, %add3A_337 : i32
        %swap3A_339 = arith.index_cast %add3A_338 : i32 to index
        %swap3A_340 = arith.constant 96 : index
        %swap3A_341 = tpu.vector_load %arg10[%swap3A_339, %swap3A_340] {strides = array<i32>} : memref<128x128xf32, #tpu.memory_space<vmem>>, vector<1x16xf32>,
        %swap3A_342 = vector.shape_cast %swap3A_341 : vector<1x16xf32> to vector<16xf32>
        %swap3A_343 = vector.shape_cast %mul3A_334 : vector<16xf32> to vector<1x16xf32>
        tpu.vector_store %arg10[%swap3A_339, %swap3A_340], %swap3A_343 {strides = array<i32>} : memref<128x128xf32, #tpu.memory_space<vmem>>, vector<1x16xf32>,
        %mul3A_344 = arith.constant 2 : i32
        %mul3A_345 = arith.muli %scan3A_205, %mul3A_344 : i32
        %add3A_346 = arith.constant 0 : i32
        %add3A_347 = arith.addi %mul3A_345, %add3A_346 : i32
        %get3A_348 = arith.index_cast %add3A_347 : i32 to index
        %get3A_349 = arith.constant 112 : index
        %get3A_350 = tpu.vector_load %arg10[%get3A_348, %get3A_349] {strides = array<i32>} : memref<128x128xf32, #tpu.memory_space<vmem>>, vector<1x16xf32>,
        %get3A_351 = vector.shape_cast %get3A_350 : vector<1x16xf32> to vector<16xf32>
        %mul3A_352 = arith.constant 11.3137083 : f32
        %mul3A_353 = vector.broadcast %mul3A_352 : f32 to vector<16xf32>
        %mul3A_354 = arith.mulf %get3A_351, %mul3A_353 : vector<16xf32>
        %mul3A_355 = arith.constant 2 : i32
        %mul3A_356 = arith.muli %scan3A_205, %mul3A_355 : i32
        %add3A_357 = arith.constant 0 : i32
        %add3A_358 = arith.addi %mul3A_356, %add3A_357 : i32
        %swap3A_359 = arith.index_cast %add3A_358 : i32 to index
        %swap3A_360 = arith.constant 112 : index
        %swap3A_361 = tpu.vector_load %arg10[%swap3A_359, %swap3A_360] {strides = array<i32>} : memref<128x128xf32, #tpu.memory_space<vmem>>, vector<1x16xf32>,
        %swap3A_362 = vector.shape_cast %swap3A_361 : vector<1x16xf32> to vector<16xf32>
        %swap3A_363 = vector.shape_cast %mul3A_354 : vector<16xf32> to vector<1x16xf32>
        tpu.vector_store %arg10[%swap3A_359, %swap3A_360], %swap3A_363 {strides = array<i32>} : memref<128x128xf32, #tpu.memory_space<vmem>>, vector<1x16xf32>,
        %mul3A_364 = arith.constant 2 : i32
        %mul3A_365 = arith.muli %scan3A_205, %mul3A_364 : i32
        %add3A_366 = arith.constant 1 : i32
        %add3A_367 = arith.addi %mul3A_365, %add3A_366 : i32
        %get3A_368 = arith.index_cast %add3A_367 : i32 to index
        %get3A_369 = arith.constant 0 : index
        %get3A_370 = tpu.vector_load %arg10[%get3A_368, %get3A_369] {strides = array<i32>} : memref<128x128xf32, #tpu.memory_space<vmem>>, vector<1x16xf32>,
        %get3A_371 = vector.shape_cast %get3A_370 : vector<1x16xf32> to vector<16xf32>
        %mul3A_372 = arith.constant 11.3137083 : f32
        %mul3A_373 = vector.broadcast %mul3A_372 : f32 to vector<16xf32>
        %mul3A_374 = arith.mulf %get3A_371, %mul3A_373 : vector<16xf32>
        %mul3A_375 = arith.constant 2 : i32
        %mul3A_376 = arith.muli %scan3A_205, %mul3A_375 : i32
        %add3A_377 = arith.constant 1 : i32
        %add3A_378 = arith.addi %mul3A_376, %add3A_377 : i32
        %swap3A_379 = arith.index_cast %add3A_378 : i32 to index
        %swap3A_380 = arith.constant 0 : index
        %swap3A_381 = tpu.vector_load %arg10[%swap3A_379, %swap3A_380] {strides = array<i32>} : memref<128x128xf32, #tpu.memory_space<vmem>>, vector<1x16xf32>,
        %swap3A_382 = vector.shape_cast %swap3A_381 : vector<1x16xf32> to vector<16xf32>
        %swap3A_383 = vector.shape_cast %mul3A_374 : vector<16xf32> to vector<1x16xf32>
        tpu.vector_store %arg10[%swap3A_379, %swap3A_380], %swap3A_383 {strides = array<i32>} : memref<128x128xf32, #tpu.memory_space<vmem>>, vector<1x16xf32>,
        %mul3A_384 = arith.constant 2 : i32
        %mul3A_385 = arith.muli %scan3A_205, %mul3A_384 : i32
        %add3A_386 = arith.constant 1 : i32
        %add3A_387 = arith.addi %mul3A_385, %add3A_386 : i32
        %get3A_388 = arith.index_cast %add3A_387 : i32 to index
        %get3A_389 = arith.constant 16 : index
        %get3A_390 = tpu.vector_load %arg10[%get3A_388, %get3A_389] {strides = array<i32>} : memref<128x128xf32, #tpu.memory_space<vmem>>, vector<1x16xf32>,
        %get3A_391 = vector.shape_cast %get3A_390 : vector<1x16xf32> to vector<16xf32>
        %mul3A_392 = arith.constant 11.3137083 : f32
        %mul3A_393 = vector.broadcast %mul3A_392 : f32 to vector<16xf32>
        %mul3A_394 = arith.mulf %get3A_391, %mul3A_393 : vector<16xf32>
        %mul3A_395 = arith.constant 2 : i32
        %mul3A_396 = arith.muli %scan3A_205, %mul3A_395 : i32
        %add3A_397 = arith.constant 1 : i32
        %add3A_398 = arith.addi %mul3A_396, %add3A_397 : i32
        %swap3A_399 = arith.index_cast %add3A_398 : i32 to index
        %swap3A_400 = arith.constant 16 : index
        %swap3A_401 = tpu.vector_load %arg10[%swap3A_399, %swap3A_400] {strides = array<i32>} : memref<128x128xf32, #tpu.memory_space<vmem>>, vector<1x16xf32>,
        %swap3A_402 = vector.shape_cast %swap3A_401 : vector<1x16xf32> to vector<16xf32>
        %swap3A_403 = vector.shape_cast %mul3A_394 : vector<16xf32> to vector<1x16xf32>
        tpu.vector_store %arg10[%swap3A_399, %swap3A_400], %swap3A_403 {strides = array<i32>} : memref<128x128xf32, #tpu.memory_space<vmem>>, vector<1x16xf32>,
        %mul3A_404 = arith.constant 2 : i32
        %mul3A_405 = arith.muli %scan3A_205, %mul3A_404 : i32
        %add3A_406 = arith.constant 1 : i32
        %add3A_407 = arith.addi %mul3A_405, %add3A_406 : i32
        %get3A_408 = arith.index_cast %add3A_407 : i32 to index
        %get3A_409 = arith.constant 32 : index
        %get3A_410 = tpu.vector_load %arg10[%get3A_408, %get3A_409] {strides = array<i32>} : memref<128x128xf32, #tpu.memory_space<vmem>>, vector<1x16xf32>,
        %get3A_411 = vector.shape_cast %get3A_410 : vector<1x16xf32> to vector<16xf32>
        %mul3A_412 = arith.constant 11.3137083 : f32
        %mul3A_413 = vector.broadcast %mul3A_412 : f32 to vector<16xf32>
        %mul3A_414 = arith.mulf %get3A_411, %mul3A_413 : vector<16xf32>
        %mul3A_415 = arith.constant 2 : i32
        %mul3A_416 = arith.muli %scan3A_205, %mul3A_415 : i32
        %add3A_417 = arith.constant 1 : i32
        %add3A_418 = arith.addi %mul3A_416, %add3A_417 : i32
        %swap3A_419 = arith.index_cast %add3A_418 : i32 to index
        %swap3A_420 = arith.constant 32 : index
        %swap3A_421 = tpu.vector_load %arg10[%swap3A_419, %swap3A_420] {strides = array<i32>} : memref<128x128xf32, #tpu.memory_space<vmem>>, vector<1x16xf32>,
        %swap3A_422 = vector.shape_cast %swap3A_421 : vector<1x16xf32> to vector<16xf32>
        %swap3A_423 = vector.shape_cast %mul3A_414 : vector<16xf32> to vector<1x16xf32>
        tpu.vector_store %arg10[%swap3A_419, %swap3A_420], %swap3A_423 {strides = array<i32>} : memref<128x128xf32, #tpu.memory_space<vmem>>, vector<1x16xf32>,
        %mul3A_424 = arith.constant 2 : i32
        %mul3A_425 = arith.muli %scan3A_205, %mul3A_424 : i32
        %add3A_426 = arith.constant 1 : i32
        %add3A_427 = arith.addi %mul3A_425, %add3A_426 : i32
        %get3A_428 = arith.index_cast %add3A_427 : i32 to index
        %get3A_429 = arith.constant 48 : index
        %get3A_430 = tpu.vector_load %arg10[%get3A_428, %get3A_429] {strides = array<i32>} : memref<128x128xf32, #tpu.memory_space<vmem>>, vector<1x16xf32>,
        %get3A_431 = vector.shape_cast %get3A_430 : vector<1x16xf32> to vector<16xf32>
        %mul3A_432 = arith.constant 11.3137083 : f32
        %mul3A_433 = vector.broadcast %mul3A_432 : f32 to vector<16xf32>
        %mul3A_434 = arith.mulf %get3A_431, %mul3A_433 : vector<16xf32>
        %mul3A_435 = arith.constant 2 : i32
        %mul3A_436 = arith.muli %scan3A_205, %mul3A_435 : i32
        %add3A_437 = arith.constant 1 : i32
        %add3A_438 = arith.addi %mul3A_436, %add3A_437 : i32
        %swap3A_439 = arith.index_cast %add3A_438 : i32 to index
        %swap3A_440 = arith.constant 48 : index
        %swap3A_441 = tpu.vector_load %arg10[%swap3A_439, %swap3A_440] {strides = array<i32>} : memref<128x128xf32, #tpu.memory_space<vmem>>, vector<1x16xf32>,
        %swap3A_442 = vector.shape_cast %swap3A_441 : vector<1x16xf32> to vector<16xf32>
        %swap3A_443 = vector.shape_cast %mul3A_434 : vector<16xf32> to vector<1x16xf32>
        tpu.vector_store %arg10[%swap3A_439, %swap3A_440], %swap3A_443 {strides = array<i32>} : memref<128x128xf32, #tpu.memory_space<vmem>>, vector<1x16xf32>,
        %mul3A_444 = arith.constant 2 : i32
        %mul3A_445 = arith.muli %scan3A_205, %mul3A_444 : i32
        %add3A_446 = arith.constant 1 : i32
        %add3A_447 = arith.addi %mul3A_445, %add3A_446 : i32
        %get3A_448 = arith.index_cast %add3A_447 : i32 to index
        %get3A_449 = arith.constant 64 : index
        %get3A_450 = tpu.vector_load %arg10[%get3A_448, %get3A_449] {strides = array<i32>} : memref<128x128xf32, #tpu.memory_space<vmem>>, vector<1x16xf32>,
        %get3A_451 = vector.shape_cast %get3A_450 : vector<1x16xf32> to vector<16xf32>
        %mul3A_452 = arith.constant 11.3137083 : f32
        %mul3A_453 = vector.broadcast %mul3A_452 : f32 to vector<16xf32>
        %mul3A_454 = arith.mulf %get3A_451, %mul3A_453 : vector<16xf32>
        %mul3A_455 = arith.constant 2 : i32
        %mul3A_456 = arith.muli %scan3A_205, %mul3A_455 : i32
        %add3A_457 = arith.constant 1 : i32
        %add3A_458 = arith.addi %mul3A_456, %add3A_457 : i32
        %swap3A_459 = arith.index_cast %add3A_458 : i32 to index
        %swap3A_460 = arith.constant 64 : index
        %swap3A_461 = tpu.vector_load %arg10[%swap3A_459, %swap3A_460] {strides = array<i32>} : memref<128x128xf32, #tpu.memory_space<vmem>>, vector<1x16xf32>,
        %swap3A_462 = vector.shape_cast %swap3A_461 : vector<1x16xf32> to vector<16xf32>
        %swap3A_463 = vector.shape_cast %mul3A_454 : vector<16xf32> to vector<1x16xf32>
        tpu.vector_store %arg10[%swap3A_459, %swap3A_460], %swap3A_463 {strides = array<i32>} : memref<128x128xf32, #tpu.memory_space<vmem>>, vector<1x16xf32>,
        %mul3A_464 = arith.constant 2 : i32
        %mul3A_465 = arith.muli %scan3A_205, %mul3A_464 : i32
        %add3A_466 = arith.constant 1 : i32
        %add3A_467 = arith.addi %mul3A_465, %add3A_466 : i32
        %get3A_468 = arith.index_cast %add3A_467 : i32 to index
        %get3A_469 = arith.constant 80 : index
        %get3A_470 = tpu.vector_load %arg10[%get3A_468, %get3A_469] {strides = array<i32>} : memref<128x128xf32, #tpu.memory_space<vmem>>, vector<1x16xf32>,
        %get3A_471 = vector.shape_cast %get3A_470 : vector<1x16xf32> to vector<16xf32>
        %mul3A_472 = arith.constant 11.3137083 : f32
        %mul3A_473 = vector.broadcast %mul3A_472 : f32 to vector<16xf32>
        %mul3A_474 = arith.mulf %get3A_471, %mul3A_473 : vector<16xf32>
        %mul3A_475 = arith.constant 2 : i32
        %mul3A_476 = arith.muli %scan3A_205, %mul3A_475 : i32
        %add3A_477 = arith.constant 1 : i32
        %add3A_478 = arith.addi %mul3A_476, %add3A_477 : i32
        %swap3A_479 = arith.index_cast %add3A_478 : i32 to index
        %swap3A_480 = arith.constant 80 : index
        %swap3A_481 = tpu.vector_load %arg10[%swap3A_479, %swap3A_480] {strides = array<i32>} : memref<128x128xf32, #tpu.memory_space<vmem>>, vector<1x16xf32>,
        %swap3A_482 = vector.shape_cast %swap3A_481 : vector<1x16xf32> to vector<16xf32>
        %swap3A_483 = vector.shape_cast %mul3A_474 : vector<16xf32> to vector<1x16xf32>
        tpu.vector_store %arg10[%swap3A_479, %swap3A_480], %swap3A_483 {strides = array<i32>} : memref<128x128xf32, #tpu.memory_space<vmem>>, vector<1x16xf32>,
        %mul3A_484 = arith.constant 2 : i32
        %mul3A_485 = arith.muli %scan3A_205, %mul3A_484 : i32
        %add3A_486 = arith.constant 1 : i32
        %add3A_487 = arith.addi %mul3A_485, %add3A_486 : i32
        %get3A_488 = arith.index_cast %add3A_487 : i32 to index
        %get3A_489 = arith.constant 96 : index
        %get3A_490 = tpu.vector_load %arg10[%get3A_488, %get3A_489] {strides = array<i32>} : memref<128x128xf32, #tpu.memory_space<vmem>>, vector<1x16xf32>,
        %get3A_491 = vector.shape_cast %get3A_490 : vector<1x16xf32> to vector<16xf32>
        %mul3A_492 = arith.constant 11.3137083 : f32
        %mul3A_493 = vector.broadcast %mul3A_492 : f32 to vector<16xf32>
        %mul3A_494 = arith.mulf %get3A_491, %mul3A_493 : vector<16xf32>
        %mul3A_495 = arith.constant 2 : i32
        %mul3A_496 = arith.muli %scan3A_205, %mul3A_495 : i32
        %add3A_497 = arith.constant 1 : i32
        %add3A_498 = arith.addi %mul3A_496, %add3A_497 : i32
        %swap3A_499 = arith.index_cast %add3A_498 : i32 to index
        %swap3A_500 = arith.constant 96 : index
        %swap3A_501 = tpu.vector_load %arg10[%swap3A_499, %swap3A_500] {strides = array<i32>} : memref<128x128xf32, #tpu.memory_space<vmem>>, vector<1x16xf32>,
        %swap3A_502 = vector.shape_cast %swap3A_501 : vector<1x16xf32> to vector<16xf32>
        %swap3A_503 = vector.shape_cast %mul3A_494 : vector<16xf32> to vector<1x16xf32>
        tpu.vector_store %arg10[%swap3A_499, %swap3A_500], %swap3A_503 {strides = array<i32>} : memref<128x128xf32, #tpu.memory_space<vmem>>, vector<1x16xf32>,
        %mul3A_504 = arith.constant 2 : i32
        %mul3A_505 = arith.muli %scan3A_205, %mul3A_504 : i32
        %add3A_506 = arith.constant 1 : i32
        %add3A_507 = arith.addi %mul3A_505, %add3A_506 : i32
        %get3A_508 = arith.index_cast %add3A_507 : i32 to index
        %get3A_509 = arith.constant 112 : index
        %get3A_510 = tpu.vector_load %arg10[%get3A_508, %get3A_509] {strides = array<i32>} : memref<128x128xf32, #tpu.memory_space<vmem>>, vector<1x16xf32>,
        %get3A_511 = vector.shape_cast %get3A_510 : vector<1x16xf32> to vector<16xf32>
        %mul3A_512 = arith.constant 11.3137083 : f32
        %mul3A_513 = vector.broadcast %mul3A_512 : f32 to vector<16xf32>
        %mul3A_514 = arith.mulf %get3A_511, %mul3A_513 : vector<16xf32>
        %mul3A_515 = arith.constant 2 : i32
        %mul3A_516 = arith.muli %scan3A_205, %mul3A_515 : i32
        %add3A_517 = arith.constant 1 : i32
        %add3A_518 = arith.addi %mul3A_516, %add3A_517 : i32
        %swap3A_519 = arith.index_cast %add3A_518 : i32 to index
        %swap3A_520 = arith.constant 112 : index
        %swap3A_521 = tpu.vector_load %arg10[%swap3A_519, %swap3A_520] {strides = array<i32>} : memref<128x128xf32, #tpu.memory_space<vmem>>, vector<1x16xf32>,
        %swap3A_522 = vector.shape_cast %swap3A_521 : vector<1x16xf32> to vector<16xf32>
        %swap3A_523 = vector.shape_cast %mul3A_514 : vector<16xf32> to vector<1x16xf32>
        tpu.vector_store %arg10[%swap3A_519, %swap3A_520], %swap3A_523 {strides = array<i32>} : memref<128x128xf32, #tpu.memory_space<vmem>>, vector<1x16xf32>,
      }
      %scan3A_198 = arith.constant 64 : i32
      %dma_start3A_199 = arith.constant 0 : i32
      %dma_start3A_200 = tpu.memref_slice %arg4[%add3A_179, %mul3A_2, %dma_start3A_199] : memref<50x4096x128xf32, #tpu.memory_space<hbm>> -> memref<1x128x128xf32, #tpu.memory_space<hbm>>
      %dma_start3A_201 = tpu.memref_squeeze %dma_start3A_200 : memref<1x128x128xf32, #tpu.memory_space<hbm>> -> memref<128x128xf32, #tpu.memory_space<hbm>>
      %dma_start3A_202 = arith.constant 0 : i32
      %dma_start3A_203 = tpu.memref_slice %arg4[%add3A_179, %mul3A_2, %dma_start3A_202] : memref<50x4096x128xf32, #tpu.memory_space<hbm>> -> memref<1x128x128xf32, #tpu.memory_space<hbm>>
      %dma_start3A_204 = tpu.memref_squeeze %dma_start3A_203 : memref<1x128x128xf32, #tpu.memory_space<hbm>> -> memref<128x128xf32, #tpu.memory_space<hbm>>
      tpu.enqueue_dma source(%arg10 : memref<128x128xf32, #tpu.memory_space<vmem>>) target(%dma_start3A_204 : memref<128x128xf32, #tpu.memory_space<hbm>>) target_semaphore(%arg20 : memref<!tpu.dma_semaphore, #tpu.memory_space<semaphore_mem>>)
    }
    %scan3A_25 = arith.constant 10 : i32
    %dma_wait3A = arith.constant 0 : i32
    %dma_wait3A_26 = arith.constant 0 : i32
    %dma_wait3A_27 = arith.constant 0 : i32
    %dma_wait3A_28 = tpu.memref_slice %arg4[%dma_wait3A, %dma_wait3A_26, %dma_wait3A_27] : memref<50x4096x128xf32, #tpu.memory_space<hbm>> -> memref<1x128x128xf32, #tpu.memory_space<hbm>>
    %dma_wait3A_29 = tpu.memref_squeeze %dma_wait3A_28 : memref<1x128x128xf32, #tpu.memory_space<hbm>> -> memref<128x128xf32, #tpu.memory_space<hbm>>
    %dma_wait3A_30 = arith.constant 0 : i32
    %dma_wait3A_31 = arith.constant 0 : i32
    %dma_wait3A_32 = tpu.memref_slice %arg4[%dma_wait3A, %dma_wait3A_30, %dma_wait3A_31] : memref<50x4096x128xf32, #tpu.memory_space<hbm>> -> memref<1x128x128xf32, #tpu.memory_space<hbm>>
    %dma_wait3A_33 = tpu.memref_squeeze %dma_wait3A_32 : memref<1x128x128xf32, #tpu.memory_space<hbm>> -> memref<128x128xf32, #tpu.memory_space<hbm>>
    tpu.wait_dma2 semaphore(%arg16 : memref<!tpu.dma_semaphore, #tpu.memory_space<semaphore_mem>>) src(%arg6 : memref<128x128xf32, #tpu.memory_space<vmem>>) dst(%dma_wait3A_33 : memref<128x128xf32, #tpu.memory_space<hbm>>)
    %dma_wait3A_34 = arith.constant 0 : i32
    %dma_wait3A_35 = arith.constant 0 : i32
    %dma_wait3A_36 = arith.constant 0 : i32
    %dma_wait3A_37 = tpu.memref_slice %arg4[%dma_wait3A_34, %dma_wait3A_35, %dma_wait3A_36] : memref<50x4096x128xf32, #tpu.memory_space<hbm>> -> memref<1x128x128xf32, #tpu.memory_space<hbm>>
    %dma_wait3A_38 = tpu.memref_squeeze %dma_wait3A_37 : memref<1x128x128xf32, #tpu.memory_space<hbm>> -> memref<128x128xf32, #tpu.memory_space<hbm>>
    %dma_wait3A_39 = arith.constant 0 : i32
    %dma_wait3A_40 = arith.constant 0 : i32
    %dma_wait3A_41 = tpu.memref_slice %arg4[%dma_wait3A_34, %dma_wait3A_39, %dma_wait3A_40] : memref<50x4096x128xf32, #tpu.memory_space<hbm>> -> memref<1x128x128xf32, #tpu.memory_space<hbm>>
    %dma_wait3A_42 = tpu.memref_squeeze %dma_wait3A_41 : memref<1x128x128xf32, #tpu.memory_space<hbm>> -> memref<128x128xf32, #tpu.memory_space<hbm>>
    tpu.wait_dma2 semaphore(%arg17 : memref<!tpu.dma_semaphore, #tpu.memory_space<semaphore_mem>>) src(%arg7 : memref<128x128xf32, #tpu.memory_space<vmem>>) dst(%dma_wait3A_42 : memref<128x128xf32, #tpu.memory_space<hbm>>)
    %dma_wait3A_43 = arith.constant 0 : i32
    %dma_wait3A_44 = arith.constant 0 : i32
    %dma_wait3A_45 = arith.constant 0 : i32
    %dma_wait3A_46 = tpu.memref_slice %arg4[%dma_wait3A_43, %dma_wait3A_44, %dma_wait3A_45] : memref<50x4096x128xf32, #tpu.memory_space<hbm>> -> memref<1x128x128xf32, #tpu.memory_space<hbm>>
    %dma_wait3A_47 = tpu.memref_squeeze %dma_wait3A_46 : memref<1x128x128xf32, #tpu.memory_space<hbm>> -> memref<128x128xf32, #tpu.memory_space<hbm>>
    %dma_wait3A_48 = arith.constant 0 : i32
    %dma_wait3A_49 = arith.constant 0 : i32
    %dma_wait3A_50 = tpu.memref_slice %arg4[%dma_wait3A_43, %dma_wait3A_48, %dma_wait3A_49] : memref<50x4096x128xf32, #tpu.memory_space<hbm>> -> memref<1x128x128xf32, #tpu.memory_space<hbm>>
    %dma_wait3A_51 = tpu.memref_squeeze %dma_wait3A_50 : memref<1x128x128xf32, #tpu.memory_space<hbm>> -> memref<128x128xf32, #tpu.memory_space<hbm>>
    tpu.wait_dma2 semaphore(%arg18 : memref<!tpu.dma_semaphore, #tpu.memory_space<semaphore_mem>>) src(%arg8 : memref<128x128xf32, #tpu.memory_space<vmem>>) dst(%dma_wait3A_51 : memref<128x128xf32, #tpu.memory_space<hbm>>)
    %dma_wait3A_52 = arith.constant 0 : i32
    %dma_wait3A_53 = arith.constant 0 : i32
    %dma_wait3A_54 = arith.constant 0 : i32
    %dma_wait3A_55 = tpu.memref_slice %arg4[%dma_wait3A_52, %dma_wait3A_53, %dma_wait3A_54] : memref<50x4096x128xf32, #tpu.memory_space<hbm>> -> memref<1x128x128xf32, #tpu.memory_space<hbm>>
    %dma_wait3A_56 = tpu.memref_squeeze %dma_wait3A_55 : memref<1x128x128xf32, #tpu.memory_space<hbm>> -> memref<128x128xf32, #tpu.memory_space<hbm>>
    %dma_wait3A_57 = arith.constant 0 : i32
    %dma_wait3A_58 = arith.constant 0 : i32
    %dma_wait3A_59 = tpu.memref_slice %arg4[%dma_wait3A_52, %dma_wait3A_57, %dma_wait3A_58] : memref<50x4096x128xf32, #tpu.memory_space<hbm>> -> memref<1x128x128xf32, #tpu.memory_space<hbm>>
    %dma_wait3A_60 = tpu.memref_squeeze %dma_wait3A_59 : memref<1x128x128xf32, #tpu.memory_space<hbm>> -> memref<128x128xf32, #tpu.memory_space<hbm>>
    tpu.wait_dma2 semaphore(%arg19 : memref<!tpu.dma_semaphore, #tpu.memory_space<semaphore_mem>>) src(%arg9 : memref<128x128xf32, #tpu.memory_space<vmem>>) dst(%dma_wait3A_60 : memref<128x128xf32, #tpu.memory_space<hbm>>)
    %dma_wait3A_61 = arith.constant 0 : i32
    %dma_wait3A_62 = arith.constant 0 : i32
    %dma_wait3A_63 = arith.constant 0 : i32
    %dma_wait3A_64 = tpu.memref_slice %arg4[%dma_wait3A_61, %dma_wait3A_62, %dma_wait3A_63] : memref<50x4096x128xf32, #tpu.memory_space<hbm>> -> memref<1x128x128xf32, #tpu.memory_space<hbm>>
    %dma_wait3A_65 = tpu.memref_squeeze %dma_wait3A_64 : memref<1x128x128xf32, #tpu.memory_space<hbm>> -> memref<128x128xf32, #tpu.memory_space<hbm>>
    %dma_wait3A_66 = arith.constant 0 : i32
    %dma_wait3A_67 = arith.constant 0 : i32
    %dma_wait3A_68 = tpu.memref_slice %arg4[%dma_wait3A_61, %dma_wait3A_66, %dma_wait3A_67] : memref<50x4096x128xf32, #tpu.memory_space<hbm>> -> memref<1x128x128xf32, #tpu.memory_space<hbm>>
    %dma_wait3A_69 = tpu.memref_squeeze %dma_wait3A_68 : memref<1x128x128xf32, #tpu.memory_space<hbm>> -> memref<128x128xf32, #tpu.memory_space<hbm>>
    tpu.wait_dma2 semaphore(%arg20 : memref<!tpu.dma_semaphore, #tpu.memory_space<semaphore_mem>>) src(%arg10 : memref<128x128xf32, #tpu.memory_space<vmem>>) dst(%dma_wait3A_69 : memref<128x128xf32, #tpu.memory_space<hbm>>)
    return
  }
}

</mosaic_0001>

<sc_bundles>
// kernel: kernel.3.cloned.1.call-start
scs
__scs_entry_jumppad:
0x0: {  	(pc) =	sbr.rel $0x88, $3  }
0x1: {  	(tag) =	ssettag $0x0;
	lr =	simm.s32 $0x1  }
0x2: {  	[smem:$0x3F9F] =	sst lr;
	_ =	strace $0xD0000000  }
0x3: {  	_ = 	snop  }
0x4: {  	_ = 	snop  }
0x5: {  	_ = 	snop  }
0x6: {  	_ = 	snop  }
0x7: {  	_ = 	snop  }
__scs_overlays_trampoline_lowered:
0x8: {  	[smem:$0x3FAE] =	sst s0  }
0x9: {  	[smem:$0x3FAF] =	sst s1  }
0xa: {  	[smem:$0x3FB0] =	sst s2  }
0xb: {  	[smem:$0x3FB1] =	sst s3  }
0xc: {  	[smem:$0x3FB2] =	sst s4  }
0xd: {  	[smem:$0x3FB3] =	sst s5  }
0xe: {  	[smem:$0x3FB4] =	sst s6  }
0xf: {  	[smem:$0x3FB5] =	sst s7  }
0x10: {  	[smem:$0x3FB6] =	sst s8  }
0x11: {  	[smem:$0x3FB7] =	sst s9;
	s0 =	simm.s32 @!p0 $0x0  }
0x12: {  	s1 =	sld [smem:$0x3F9D];
	s0 =	simm.s32 @p0 $0x1  }
0x13: {  	[smem:$0x3FB8] =	sst s0;
	s0 =	simm.s32 @!p1 $0x0  }
0x14: {  	s2 =	sld [smem:$0x3F9C];
	s0 =	simm.s32 @p1 $0x1  }
0x15: {  	[smem:$0x3FB9] =	sst s0;
	s0 =	simm.s32 @!p2 $0x0  }
0x16: {  	s3 =	sld [smem:$0x3FDB];
	s0 =	simm.s32 @p2 $0x1  }
0x17: {  	s4 =	simm.s32 $0x1BF5;
	[smem:$0x3FBB] =	sst s0  }
0x18: {  	s0 =	sld [smem:$0x3F9E];
	_ =	swait.ge [sflag:s4], $0x0  }
0x19: {  	s7 =	sld [smem:$0x3F9F]  }
0x1a: {  	s8 =	sadd.s32 $0xFFFFE003, lr  }
0x1b: {  	s9 =	sadd.s32 $0xFFFFFEF7, lr;
	s5 =	simm.s32 $0xFFFFFFFF;
	p2 =	slt.u32 s8, $0xFFFFF086  }
0x1c: {  	p1 =	slt.u32 s9, $0xF7A;
	s5 =	simm.s32 @!p2 $0x0  }
0x1d: {  	s5 =	simm.s32 @p1 $0x1;
	p0 =	seq.s32 s7, s2  }
0x1e: {  	s7 =	smul.u32 @!p0 $0xF7A, s2;
	p2 =	seq.s32 @!p0 s5, $0x0  }
0x1f: {  	s9 =	smul.u32 $0xF7A, s1;
	s8 =	simm.s32 @!p0 $0x1BF5;
	p2 =	por !p2, p0  }
0x20: {  	[sflag:s8] =	ssyncset.s32 @!p0 $0xFFFFF086;
	s6 =	sadd.s32 @!p0 s3, s7;
	s7 =	simm.s32 @!p0 $0x108  }
0x21: {  	s3 =	sadd.s32 s3, s9;
	s6 =	sadd.s32 @!p0 $0x88, s6;
	s7 =	simm.s32 @p2 $0x1082  }
0x22: {  	[simem:s7], [sflag:s8] =	dma.local @!p0 [hbm:s6], $0xF7A  }
0x23: {  	s9 =	sor.u32 $0xD0000000, s2;
	s6 =	simm.s32 $0x108;
	_ =	swait.ge @!p0 [sflag:s8], $0x0  }
0x24: {  	s3 =	sadd.s32 $0x88, s3;
	s6 =	simm.s32 @!p1 $0x1082;
	[sflag:s4] =	ssyncset.s32 $0xFFFFF086  }
0x25: {  	[simem:s6], [sflag:s4] =	dma.local [hbm:s3], $0xF7A  }
0x26: {  	[smem:$0x3F9F] =	sst s1;
	(tag) =	ssettag s2;
	_ =	strace s9  }
0x27: {  	s1 =	sld [smem:$0x3FAF]  }
0x28: {  	s2 =	sld [smem:$0x3FB0]  }
0x29: {  	s4 =	sld [smem:$0x3FB2]  }
0x2a: {  	p0 =	seq.s32 s5, $0x0;
	s5 =	sld [smem:$0x3FB3]  }
0x2b: {  	s6 =	sld [smem:$0x3FB4]  }
0x2c: {  	s7 =	sld [smem:$0x3FB5]  }
0x2d: {  	s3 =	simm.s32 $0x108;
	s8 =	sld [smem:$0x3FB6]  }
0x2e: {  	s3 =	simm.s32 @!p0 $0x1082;
	s9 =	sld [smem:$0x3FB7]  }
0x2f: {  	lr =	sadd.s32 s0, s3;
	s0 =	sld [smem:$0x3FAE]  }
0x30: {  	s3 =	sld [smem:$0x3FB1]  }
0x31: {  	[smem:$0x3FBA] =	sst s10  }
0x32: {  	s10 =	sld [smem:$0x3FB8];
	_ =	sdelay $0x3  }
0x33: {  	p0 =	seq.s32 s10, $0x1;
	s10 =	sld [smem:$0x3FBA];
	_ =	sdelay $0x3  }
0x34: {  	[smem:$0x3FBA] =	sst s10  }
0x35: {  	s10 =	sld [smem:$0x3FB9];
	_ =	sdelay $0x3  }
0x36: {  	p1 =	seq.s32 s10, $0x1;
	s10 =	sld [smem:$0x3FBA];
	_ =	sdelay $0x3  }
0x37: {  	[smem:$0x3FBA] =	sst s10  }
0x38: {  	s10 =	sld [smem:$0x3FBB]  }
0x39: {  	_ = 	snop;
	(pc) =	sbr.ind lr, $3  }
0x3a: {  	_ = 	snop  }
0x3b: {  	_ = 	snop  }
0x3c: {  	p2 =	seq.s32 s10, $0x1;
	s10 =	sld [smem:$0x3FBA]  }
0x3d: {  	_ =	shalt  }
0x3e: {  	_ =	shalt  }
0x3f: {  	_ =	shalt  }
0x40: {  	_ =	shalt  }
0x41: {  	_ =	shalt  }
0x42: {  	_ =	shalt  }
0x43: {  	_ =	shalt  }
0x44: {  	_ =	shalt  }
0x45: {  	_ =	shalt  }
0x46: {  	_ =	shalt  }
0x47: {  	_ =	shalt  }
0x48: {  	_ =	shalt  }
0x49: {  	_ =	shalt  }
0x4a: {  	_ =	shalt  }
0x4b: {  	_ =	shalt  }
0x4c: {  	_ =	shalt  }
0x4d: {  	_ =	shalt  }
0x4e: {  	_ =	shalt  }
0x4f: {  	_ =	shalt  }
0x50: {  	_ =	shalt  }
0x51: {  	_ =	shalt  }
0x52: {  	_ =	shalt  }
0x53: {  	_ =	shalt  }
0x54: {  	_ =	shalt  }
0x55: {  	_ =	shalt  }
0x56: {  	_ =	shalt  }
0x57: {  	_ =	shalt  }
0x58: {  	_ =	shalt  }
0x59: {  	_ =	shalt  }
0x5a: {  	_ =	shalt  }
0x5b: {  	_ =	shalt  }
0x5c: {  	_ =	shalt  }
0x5d: {  	_ =	shalt  }
0x5e: {  	_ =	shalt  }
0x5f: {  	_ =	shalt  }
0x60: {  	_ =	shalt  }
0x61: {  	_ =	shalt  }
0x62: {  	_ =	shalt  }
0x63: {  	_ =	shalt  }
0x64: {  	_ =	shalt  }
0x65: {  	_ =	shalt  }
0x66: {  	_ =	shalt  }
0x67: {  	_ =	shalt  }
0x68: {  	_ =	shalt  }
0x69: {  	_ =	shalt  }
0x6a: {  	_ =	shalt  }
0x6b: {  	_ =	shalt  }
0x6c: {  	_ =	shalt  }
0x6d: {  	_ =	shalt  }
0x6e: {  	_ =	shalt  }
0x6f: {  	_ =	shalt  }
0x70: {  	_ =	shalt  }
0x71: {  	_ =	shalt  }
0x72: {  	_ =	shalt  }
0x73: {  	_ =	shalt  }
0x74: {  	_ =	shalt  }
0x75: {  	_ =	shalt  }
0x76: {  	_ =	shalt  }
0x77: {  	_ =	shalt  }
0x78: {  	_ =	shalt  }
0x79: {  	_ =	shalt  }
0x7a: {  	_ =	shalt  }
0x7b: {  	_ =	shalt  }
0x7c: {  	_ =	shalt  }
0x7d: {  	_ =	shalt  }
0x7e: {  	_ =	shalt  }
0x7f: {  	_ =	shalt  }
0x80: {  	_ =	shalt  }
0x81: {  	_ =	shalt  }
0x82: {  	_ =	shalt  }
0x83: {  	_ =	shalt  }
0x84: {  	_ =	shalt  }
0x85: {  	_ =	shalt  }
0x86: {  	_ =	shalt  }
0x87: {  	_ =	shalt  }
.Lfunc_end0:
.L_simem_size_0:
called_computation_lowered:
.L_overlay_start_0:
0x88: {  	s2 =	sld [smem:$0x3FD9]  }
0x89: {  	s3 =	sld [smem:$0x3FFE];
	_ =	sdelay $0x1  }
0x8a: {  	s1 =	srdreg.scid  }
0x8b: {  	s0 =	sand.u32 $0x1, s1  }
0x8c: {  	s17 =	sshll.u32 s0, $0xA;
	s2 =	sadd.s32 s3, s2  }
0x8d: {  	s2 =	sadd.s32 s2, s17  }
0x8e: {  	[smem:$0x3FC6] =	sst s2  }
0x8f: {  	_ = 	snop  }
0x90: {  	s2 =	sld [smem:$0x3FC8]  }
0x91: {  	s18 =	sld [smem:$0x3FD0];
	(tm) =	ssettm $0x1  }
0x92: {  	s4 =	sld [smem:$0x3FFB];
	_ =	sdelay $0x3  }
0x93: {  	_ =	strace s4  }
0x94: {  	s4 =	sld [smem:$0x3FFC];
	_ =	sdelay $0x3  }
0x95: {  	_ =	strace s4  }
0x96: {  	s4 =	sld [smem:$0x3FFD];
	_ =	sdelay $0x3  }
0x97: {  	_ =	strace s4  }
0x98: {  	_ =	strace $0x8FFFFFFF  }
0x99: {  	s19 =	sld [smem:$0x3FDB];
	_ =	sdelay $0x1  }
0x9a: {  	s5 =	simm.s32 $_scs_section_size  }
0x9b: {  	s6 =	simm.s32 $_size__tile_overlayer_lowered;
	s7 =	simm.s32 $_tile_overlayer_lowered  }
0x9c: {  	s22 =	simm.s32 $0x1BFF;
	s21 =	sshll.u32 s7, $0x1;
	s4 =	sadd.s32 s5, s19  }
0x9d: {  	s8 =	simm.s32 $0x0;
	s20 =	sshll.u32 s6, $0x1;
	s6 =	sadd.s32 s21, s4  }
0x9e: {  	[timem:s8], [sflag:s22] =	dma.local [hbm:s6], s20  }
0x9f: {  	_ =	swait.ge [sflag:s22], s20  }
0xa0: {  	s5 =	ssub.s32 $0x0, s20;
	[sflag:s22] =	ssyncset.done $0x0  }
0xa1: {  	[sflag:s22] =	ssyncadd.s32 s5;
	_ =	sdelay $0x1  }
0xa2: {  	s23 =	simm.s32 $0x1B8B  }
0xa3: {  	_ =	swait.ge [sflag:s23], $0x1  }
0xa4: {  	[sflag:s23] =	ssyncset.done $0x0  }
0xa5: {  	s25 =	simm.s32 $0x1B8E;
	s24 =	sld [smem:$0x3FFE];
	[sflag:s23] =	ssyncadd.s32 $0xFFFFFFFF  }
0xa6: {  	s26 =	simm.s32 $execute0_lowered;
	[smem:$0x3FD2] =	sst s25  }
0xa7: {  	s6 =	sshll.u32 s26, $0x1;
	_ =	strace $0x80000046;
	[dreg:$0x1] =	wrdreg $0xFFFFFFFF  }
0xa8: {  	s28 =	simm.s32 $_size_execute0_lowered;
	s4 =	sadd.s32 s4, s6;
	[dreg:$0x0] =	wrdreg $0x0  }
0xa9: {  	s6 =	sshll.u32 s28, $0x1;
	[dreg:$0x2] =	wrdreg s4  }
0xaa: {  	[dreg:$0x3] =	wrdreg s6  }
0xab: {  	[dreg:$0x4] =	wrdreg $0xC0  }
0xac: {  	_ =	task [dreg:s8], $0x5FFFF  }
0xad: {  	[dreg:$0x1] =	wrdreg $0xFFFFFFFF  }
0xae: {  	[dreg:$0x0] =	wrdreg $0x60  }
0xaf: {  	[dreg:$0x2] =	wrdreg s24  }
0xb0: {  	[dreg:$0x3] =	wrdreg s2  }
0xb1: {  	[dreg:$0x4] =	wrdreg s18  }
0xb2: {  	[dreg:$0x5] =	wrdreg $0x9  }
0xb3: {  	_ =	task.clear_ibuf [dreg:s8], $0x6FFFF;
	_ =	strace $0x90000046  }
0xb4: {  	s29 =	simm.s32 $0x9;
	_ =	strace $0x80000048  }
0xb5: {  	_ =	swait.ge [sflag:s29], $0x1  }
0xb6: {  	[sflag:s29] =	ssyncadd.s32 $0xFFFFFFFF  }
0xb7: {  	_ =	strace $0x90000048  }
0xb8: {  	_ =	sfence  }
0xb9: {  	s30 =	sld [smem:$0x0];
	_ =	sdelay $0x2  }
0xba: {  	s31 =	sshll.u32 s1, $0xD;
	s1 =	sshrl.u32 s1, $0x2  }
0xbb: {  	s3 =	sand.u32 $0x4000, s31;
	s1 =	sadd.s32 s1, s30  }
0xbc: {  	s0 =	sor.u32 s3, s0;
	s1 =	sshll.u32 s1, $0x11  }
0xbd: {  	s0 =	sor.u32 s1, s0  }
0xbe: {  	s0 =	sadd.s32 $0x8F2B, s0  }
0xbf: {  	[sflag:s0] =	ssyncadd.remote.s32 $0x1  }
0xc0: {  	_ =	sfence.sel $0xFFFF  }
0xc1: {  	[dreg:$0x0] =	wrdreg $0xFFFFFFFF;
	(pc) =	sbr.abs _section_cstart, $3  }
0xc2: {  	[dreg:$0x1] =	wrdreg $0xFFFFFFFF  }
0xc3: {  	_ =	task.clear_ibuf [dreg:s8], $0x2FFFF;
	_ =	strace $0x9FFFFFFF  }
0xc4: {  	(tm) =	ssettm $0x7FFFFFFF  }
0xc5: {  	_ =	shalt  }
tec
execute0_lowered:
.L_overlay_start_1:
0x0: {  	(tag) =	ssettag $0x1  }
0x1: {  	s0 =	rddreg [dreg:$0x0]  }
0x2: {  	s2 =	rddreg [dreg:$0x1]  }
0x3: {  	s1 =	srdreg.scid;
	s4 =	stileid.u32  }
0x4: {  	s3 =	rddreg [dreg:$0x2];
	s11 =	simm.s32 $0x80;
	s12 =	simm.s32 $0x1900  }
0x5: {  	s13 =	simm.s32 $0x5900;
	s15 =	simm.s32 $0x9900;
	s16 =	simm.s32 $0xD900  }
0x6: {  	s17 =	simm.s32 $0x1;
	s18 =	simm.s32 $0x11900;
	s19 =	simm.s32 $0x2  }
0x7: {  	s20 =	simm.s32 $0x3;
	s21 =	simm.s32 $0x4;
	s22 =	simm.s32 $0x5  }
0x8: {  	s23 =	simm.s32 $0x6;
	s24 =	simm.s32 $0x7;
	s25 =	simm.s32 $0x8  }
0x9: {  	s26 =	simm.s32 $0x9;
	s1 =	sand.u32 $0x1, s1;
	s5 =	sshll.u32 s4, $0x1  }
0xa: {  	s28 =	simm.s32 $0xA;
	s5 =	sor.u32 s1, s5;
	s1 =	ssub.s32 $0x2, s1  }
0xb: {  	s4 =	simm.s32 $0x0;
	s6 =	smul.u32 $0x320, s5;
	s30 =	sshrl.u32 s1, $0x1  }
0xc: {  	s29 =	simm.s32 $0x0;
	[smem:$0x7FF] =	sst s4;
	s1 =	ssub.s32 s1, s30  }
0xd: {  	_ =	strace $0x80000047;
	s0 =	sadd.s32 s6, s0;
	s31 =	smax.u32 s1, $0x1  }
0xe: {  	s5 =	sshll.u32 s5, $0xE;
	s0 =	sadd.s32 $0x400, s0;
	[dreg:$0x5] =	wrdreg s31  }
0xf: {  	s7 =	sor.u32 $0x80000, s5;
	s8 =	sor.u32 $0x100000, s5;
	[dreg:$0x4] =	wrdreg s0  }
.LBB2_1:
0x10: {  	s0 =	rddreg [dreg:$0x4];
	s14 =	simm.s32 $0xB  }
0x11: {  	[tilespmem:s4], [sflag:$0xB] =	stream.linear.gather [hbm4b:s0+s4], $0x1900, $0x38;
	[tilespmem:$0x15900] =	vst v63  }
0x12: {  	_ =	swait.ge [sflag:s14], $0x1900  }
0x13: {  	[sflag:s14] =	ssyncset.done $0x0  }
0x14: {  	[sflag:s14] =	ssyncadd.s32 $0xFFFFE700  }
0x15: {  	[tilespmem:s12], [sflag:$0x1] =	stream.indirect.gather [hbm4b:s2+s11], $0x80, s4, s11, $0xb8;
	[tilespmem:$0x15900] =	vst v63  }
0x16: {  	_ = 	snop  }
0x17: {  	[tilespmem:s13], [sflag:$0x2] =	stream.indirect.gather [hbm4b:s2+s11], $0x80, s11, s11, $0xb8;
	[tilespmem:$0x15900] =	vst v63  }
0x18: {  	s31 =	simm.s32 $0x100;
	s30 =	simm.s32 $0x0  }
0x19: {  	[tilespmem:s15], [sflag:$0x3] =	stream.indirect.gather [hbm4b:s2+s11], $0x80, s31, s11, $0xb8;
	[tilespmem:$0x15900] =	vst v63  }
.LBB2_2:
0x1a: {  	s1 =	smul.u32 $0x5, s30;
	p0 =	seq.s32 s30, $0x0  }
0x1b: {  	s0 =	simm.s32 @!p0 $0x9  }
0x1c: {  	s31 =	sadd.s32 $0x3, s1;
	_ =	swait.ge @!p0 [sflag:s0], $0x4000  }
0x1d: {  	[sflag:s0] =	ssyncset.done @!p0 $0x0;
	s6 =	sshll.u32 s31, $0x7  }
0x1e: {  	[sflag:s0] =	ssyncadd.s32 @!p0 $0xFFFFC000;
	s14 =	sand.u32 $0x3FFFFF80, s6  }
0x1f: {  	[tilespmem:s16], [sflag:$0x4] =	stream.indirect.gather [hbm4b:s2+s11], $0x80, s14, s11, $0xb8;
	[tilespmem:$0x15900] =	vst v63  }
0x20: {  	_ =	swait.ge [sflag:s17], $0x4000  }
0x21: {  	[sflag:s17] =	ssyncset.done $0x0  }
0x22: {  	s14 =	simm.s32 $0x0;
	[sflag:s17] =	ssyncadd.s32 $0xFFFFC000  }
0x23: {  	v0 =	vld [tilespmem:s14+$0x1900]  }
0x24: {  	v1 =	vld [tilespmem:s14+$0x1910]  }
0x25: {  	v2 =	vld [tilespmem:s14+$0x1920]  }
0x26: {  	v3 =	vld [tilespmem:s14+$0x1930]  }
0x27: {  	v4 =	vld [tilespmem:s14+$0x1940]  }
0x28: {  	v5 =	vld [tilespmem:s14+$0x1950];
	v0 =	vmul.f32 $1.131370830e+01, v0  }
0x29: {  	v6 =	vld [tilespmem:s14+$0x1960];
	v1 =	vmul.f32 $1.131370830e+01, v1  }
0x2a: {  	v7 =	vld [tilespmem:s14+$0x1970];
	[tilespmem:s14+$0x1900] =	vst v0;
	v0 =	vmul.f32 $1.131370830e+01, v2  }
0x2b: {  	v8 =	vld [tilespmem:s14+$0x1980];
	[tilespmem:s14+$0x1910] =	vst v1;
	v1 =	vmul.f32 $1.131370830e+01, v3  }
0x2c: {  	v9 =	vld [tilespmem:s14+$0x1990];
	[tilespmem:s14+$0x1920] =	vst v0;
	v0 =	vmul.f32 $1.131370830e+01, v4  }
0x2d: {  	v2 =	vmul.f32 $1.131370830e+01, v5;
	[tilespmem:s14+$0x1930] =	vst v1;
	v1 =	vld [tilespmem:s14+$0x19A0]  }
0x2e: {  	v3 =	vmul.f32 $1.131370830e+01, v6;
	[tilespmem:s14+$0x1940] =	vst v0;
	v0 =	vld [tilespmem:s14+$0x19B0]  }
0x2f: {  	[tilespmem:s14+$0x1950] =	vst v2;
	v2 =	vld [tilespmem:s14+$0x19C0];
	v4 =	vmul.f32 $1.131370830e+01, v7  }
0x30: {  	v6 =	vmul.f32 $1.131370830e+01, v8;
	[tilespmem:s14+$0x1960] =	vst v3;
	v3 =	vld [tilespmem:s14+$0x19D0]  }
0x31: {  	s0 =	simm.s32 $0x400;
	v5 =	vmul.f32 $1.131370830e+01, v9;
	[tilespmem:s14+$0x1970] =	vst v4;
	v4 =	vld [tilespmem:s14+$0x19E0]  }
.LBB2_3:
0x32: {  	s6 =	sshra.s32 s0, $0x2;
	p1 =	sne.s32 s0, $0xFC00;
	[tilespmem:s14+$0x1980] =	vst v6;
	v1 =	vmul.f32 $1.131370830e+01, v1;
	v6 =	vld [tilespmem:s14+$0x19F0]  }
0x33: {  	v7 =	vld [tilespmem:s6+$0x1900];
	[tilespmem:s14+$0x1990] =	vst v5;
	v0 =	vmul.f32 $1.131370830e+01, v0  }
0x34: {  	v5 =	vld [tilespmem:s6+$0x1910];
	[tilespmem:s14+$0x19A0] =	vst v1;
	v1 =	vmul.f32 $1.131370830e+01, v2  }
0x35: {  	v2 =	vld [tilespmem:s6+$0x1920];
	[tilespmem:s14+$0x19B0] =	vst v0;
	v0 =	vmul.f32 $1.131370830e+01, v3  }
0x36: {  	v3 =	vld [tilespmem:s6+$0x1930];
	[tilespmem:s14+$0x19C0] =	vst v1;
	v1 =	vmul.f32 $1.131370830e+01, v4  }
0x37: {  	v4 =	vld [tilespmem:s6+$0x1940];
	[tilespmem:s14+$0x19D0] =	vst v0;
	v0 =	vmul.f32 $1.131370830e+01, v6  }
0x38: {  	v6 =	vmul.f32 $1.131370830e+01, v7;
	v7 =	vld [tilespmem:s6+$0x1950];
	[tilespmem:s14+$0x19E0] =	vst v1  }
0x39: {  	v1 =	vmul.f32 $1.131370830e+01, v5;
	v5 =	vld [tilespmem:s6+$0x1960];
	[tilespmem:s14+$0x19F0] =	vst v0;
	s14 =	smov.u32 s6  }
0x3a: {  	[tilespmem:s14+$0x1900] =	vst v6;
	v0 =	vmul.f32 $1.131370830e+01, v2;
	v2 =	vld [tilespmem:s14+$0x1970]  }
0x3b: {  	[tilespmem:s14+$0x1910] =	vst v1;
	v1 =	vmul.f32 $1.131370830e+01, v3;
	v3 =	vld [tilespmem:s14+$0x1980]  }
0x3c: {  	[tilespmem:s14+$0x1920] =	vst v0;
	v0 =	vmul.f32 $1.131370830e+01, v4;
	v4 =	vld [tilespmem:s14+$0x1990]  }
.Ltmp0:
0x3d: {  	[tilespmem:s14+$0x1930] =	vst v1;
	v6 =	vmul.f32 $1.131370830e+01, v7;
	v1 =	vld [tilespmem:s14+$0x19A0];
	(pc) =	sbr.rel @p1 .LBB2_3-.Ltmp0, $4  }
0x3e: {  	[tilespmem:s14+$0x1940] =	vst v0;
	v5 =	vmul.f32 $1.131370830e+01, v5;
	v0 =	vld [tilespmem:s14+$0x19B0]  }
0x3f: {  	[tilespmem:s14+$0x1950] =	vst v6;
	v7 =	vmul.f32 $1.131370830e+01, v2;
	v2 =	vld [tilespmem:s14+$0x19C0]  }
0x40: {  	[tilespmem:s14+$0x1960] =	vst v5;
	v6 =	vmul.f32 $1.131370830e+01, v3;
	v3 =	vld [tilespmem:s14+$0x19D0]  }
0x41: {  	s0 =	sadd.s32 $0x400, s0;
	[tilespmem:s14+$0x1970] =	vst v7;
	v5 =	vmul.f32 $1.131370830e+01, v4;
	v4 =	vld [tilespmem:s14+$0x19E0]  }
0x42: {  	[tilespmem:s14+$0x1980] =	vst v6;
	v1 =	vmul.f32 $1.131370830e+01, v1;
	v6 =	vld [tilespmem:s14+$0x19F0]  }
0x43: {  	[tilespmem:s14+$0x1990] =	vst v5;
	v0 =	vmul.f32 $1.131370830e+01, v0  }
0x44: {  	[tilespmem:s14+$0x19A0] =	vst v1;
	v1 =	vmul.f32 $1.131370830e+01, v2  }
0x45: {  	s0 =	smul.u32 $0x280000, s30;
	[tilespmem:s14+$0x19B0] =	vst v0;
	v0 =	vmul.f32 $1.131370830e+01, v3  }
0x46: {  	[tilespmem:s14+$0x19C0] =	vst v1;
	v1 =	vmul.f32 $1.131370830e+01, v4  }
0x47: {  	s6 =	sor.u32 s5, s0;
	[tilespmem:s14+$0x19D0] =	vst v0;
	v0 =	vmul.f32 $1.131370830e+01, v6  }
0x48: {  	s6 =	sshrl.u32 s6, $0x3;
	[tilespmem:s14+$0x19E0] =	vst v1  }
0x49: {  	s6 =	sadd.s32 s3, s6;
	[tilespmem:s14+$0x19F0] =	vst v0  }
0x4a: {  	[hbm4b:s6+s4] =	stream.linear.scatter [tilespmem:s12], [sflag:$0x6], $0x4000, $0x38;
	[tilespmem:$0x15900] =	vst v63  }
0x4b: {  	s6 =	simm.s32 @!p0 $0xA  }
0x4c: {  	s1 =	sadd.s32 $0x4, s1;
	_ =	swait.ge @!p0 [sflag:s6], $0x4000  }
0x4d: {  	s9 =	sshll.u32 s1, $0x7;
	[sflag:s6] =	ssyncset.done @!p0 $0x0  }
0x4e: {  	s14 =	sand.u32 $0x3FFFFF80, s9;
	[sflag:s6] =	ssyncadd.s32 @!p0 $0xFFFFC000  }
0x4f: {  	[tilespmem:s18], [sflag:$0x5] =	stream.indirect.gather [hbm4b:s2+s11], $0x80, s14, s11, $0xb8;
	[tilespmem:$0x15900] =	vst v63  }
0x50: {  	_ =	swait.ge [sflag:s19], $0x4000  }
0x51: {  	[sflag:s19] =	ssyncset.done $0x0  }
0x52: {  	s14 =	simm.s32 $0x0;
	[sflag:s19] =	ssyncadd.s32 $0xFFFFC000  }
0x53: {  	v0 =	vld [tilespmem:s14+$0x5900]  }
0x54: {  	v1 =	vld [tilespmem:s14+$0x5910]  }
0x55: {  	v2 =	vld [tilespmem:s14+$0x5920]  }
0x56: {  	v3 =	vld [tilespmem:s14+$0x5930]  }
0x57: {  	v4 =	vld [tilespmem:s14+$0x5940]  }
0x58: {  	v5 =	vld [tilespmem:s14+$0x5950];
	v0 =	vmul.f32 $1.131370830e+01, v0  }
0x59: {  	v6 =	vld [tilespmem:s14+$0x5960];
	v1 =	vmul.f32 $1.131370830e+01, v1  }
0x5a: {  	v7 =	vld [tilespmem:s14+$0x5970];
	[tilespmem:s14+$0x5900] =	vst v0;
	v0 =	vmul.f32 $1.131370830e+01, v2  }
0x5b: {  	v8 =	vld [tilespmem:s14+$0x5980];
	[tilespmem:s14+$0x5910] =	vst v1;
	v1 =	vmul.f32 $1.131370830e+01, v3  }
0x5c: {  	v9 =	vld [tilespmem:s14+$0x5990];
	[tilespmem:s14+$0x5920] =	vst v0;
	v0 =	vmul.f32 $1.131370830e+01, v4  }
0x5d: {  	v2 =	vmul.f32 $1.131370830e+01, v5;
	[tilespmem:s14+$0x5930] =	vst v1;
	v1 =	vld [tilespmem:s14+$0x59A0]  }
0x5e: {  	v3 =	vmul.f32 $1.131370830e+01, v6;
	[tilespmem:s14+$0x5940] =	vst v0;
	v0 =	vld [tilespmem:s14+$0x59B0]  }
0x5f: {  	[tilespmem:s14+$0x5950] =	vst v2;
	v2 =	vld [tilespmem:s14+$0x59C0];
	v4 =	vmul.f32 $1.131370830e+01, v7  }
0x60: {  	v6 =	vmul.f32 $1.131370830e+01, v8;
	[tilespmem:s14+$0x5960] =	vst v3;
	v3 =	vld [tilespmem:s14+$0x59D0]  }
0x61: {  	s6 =	simm.s32 $0x400;
	v5 =	vmul.f32 $1.131370830e+01, v9;
	[tilespmem:s14+$0x5970] =	vst v4;
	v4 =	vld [tilespmem:s14+$0x59E0]  }
.LBB2_5:
0x62: {  	s9 =	sshra.s32 s6, $0x2;
	p0 =	sne.s32 s6, $0xFC00;
	[tilespmem:s14+$0x5980] =	vst v6;
	v1 =	vmul.f32 $1.131370830e+01, v1;
	v6 =	vld [tilespmem:s14+$0x59F0]  }
0x63: {  	v7 =	vld [tilespmem:s9+$0x5900];
	[tilespmem:s14+$0x5990] =	vst v5;
	v0 =	vmul.f32 $1.131370830e+01, v0  }
0x64: {  	v5 =	vld [tilespmem:s9+$0x5910];
	[tilespmem:s14+$0x59A0] =	vst v1;
	v1 =	vmul.f32 $1.131370830e+01, v2  }
0x65: {  	v2 =	vld [tilespmem:s9+$0x5920];
	[tilespmem:s14+$0x59B0] =	vst v0;
	v0 =	vmul.f32 $1.131370830e+01, v3  }
0x66: {  	v3 =	vld [tilespmem:s9+$0x5930];
	[tilespmem:s14+$0x59C0] =	vst v1;
	v1 =	vmul.f32 $1.131370830e+01, v4  }
0x67: {  	v4 =	vld [tilespmem:s9+$0x5940];
	[tilespmem:s14+$0x59D0] =	vst v0;
	v0 =	vmul.f32 $1.131370830e+01, v6  }
0x68: {  	v6 =	vmul.f32 $1.131370830e+01, v7;
	v7 =	vld [tilespmem:s9+$0x5950];
	[tilespmem:s14+$0x59E0] =	vst v1  }
0x69: {  	v1 =	vmul.f32 $1.131370830e+01, v5;
	v5 =	vld [tilespmem:s9+$0x5960];
	[tilespmem:s14+$0x59F0] =	vst v0;
	s14 =	smov.u32 s9  }
0x6a: {  	[tilespmem:s14+$0x5900] =	vst v6;
	v0 =	vmul.f32 $1.131370830e+01, v2;
	v2 =	vld [tilespmem:s14+$0x5970]  }
0x6b: {  	[tilespmem:s14+$0x5910] =	vst v1;
	v1 =	vmul.f32 $1.131370830e+01, v3;
	v3 =	vld [tilespmem:s14+$0x5980]  }
0x6c: {  	[tilespmem:s14+$0x5920] =	vst v0;
	v0 =	vmul.f32 $1.131370830e+01, v4;
	v4 =	vld [tilespmem:s14+$0x5990]  }
.Ltmp1:
0x6d: {  	[tilespmem:s14+$0x5930] =	vst v1;
	v6 =	vmul.f32 $1.131370830e+01, v7;
	v1 =	vld [tilespmem:s14+$0x59A0];
	(pc) =	sbr.rel @p0 .LBB2_5-.Ltmp1, $4  }
0x6e: {  	[tilespmem:s14+$0x5940] =	vst v0;
	v5 =	vmul.f32 $1.131370830e+01, v5;
	v0 =	vld [tilespmem:s14+$0x59B0]  }
0x6f: {  	[tilespmem:s14+$0x5950] =	vst v6;
	v7 =	vmul.f32 $1.131370830e+01, v2;
	v2 =	vld [tilespmem:s14+$0x59C0]  }
0x70: {  	[tilespmem:s14+$0x5960] =	vst v5;
	v6 =	vmul.f32 $1.131370830e+01, v3;
	v3 =	vld [tilespmem:s14+$0x59D0]  }
0x71: {  	s6 =	sadd.s32 $0x400, s6;
	[tilespmem:s14+$0x5970] =	vst v7;
	v5 =	vmul.f32 $1.131370830e+01, v4;
	v4 =	vld [tilespmem:s14+$0x59E0]  }
0x72: {  	[tilespmem:s14+$0x5980] =	vst v6;
	v1 =	vmul.f32 $1.131370830e+01, v1;
	v6 =	vld [tilespmem:s14+$0x59F0]  }
0x73: {  	[tilespmem:s14+$0x5990] =	vst v5;
	v0 =	vmul.f32 $1.131370830e+01, v0  }
0x74: {  	[tilespmem:s14+$0x59A0] =	vst v1;
	v1 =	vmul.f32 $1.131370830e+01, v2  }
0x75: {  	[tilespmem:s14+$0x59B0] =	vst v0;
	v0 =	vmul.f32 $1.131370830e+01, v3  }
0x76: {  	[tilespmem:s14+$0x59C0] =	vst v1;
	v1 =	vmul.f32 $1.131370830e+01, v4  }
0x77: {  	s6 =	sadd.s32 s7, s0;
	[tilespmem:s14+$0x59D0] =	vst v0;
	v0 =	vmul.f32 $1.131370830e+01, v6  }
0x78: {  	s6 =	sshrl.u32 s6, $0x3;
	[tilespmem:s14+$0x59E0] =	vst v1  }
0x79: {  	p0 =	seq.s32 s30, $0x9;
	s6 =	sadd.s32 s3, s6;
	[tilespmem:s14+$0x59F0] =	vst v0  }
0x7a: {  	[hbm4b:s6+s4] =	stream.linear.scatter [tilespmem:s13], [sflag:$0x7], $0x4000, $0x38;
	[tilespmem:$0x15900] =	vst v63  }
0x7b: {  	s9 =	smul.u32 @!p0 $0xA00, s30;
	s6 =	simm.s32 @!p0 $0x6  }
0x7c: {  	_ =	swait.ge @!p0 [sflag:s6], $0x4000  }
0x7d: {  	s10 =	simm.s32 @!p0 $0x1900;
	s14 =	sshra.s32 @!p0 s9, $0x2;
	[sflag:s6] =	ssyncset.done @!p0 $0x0  }
0x7e: {  	s9 =	simm.s32 @!p0 $0x80;
	[sflag:s6] =	ssyncadd.s32 @!p0 $0xFFFFC000;
	s6 =	sadd.s32 @!p0 $0x280, s14  }
0x7f: {  	[tilespmem:s10], [sflag:$0x1] =	stream.indirect.gather @!p0 [hbm4b:s2+s9], $0x80, s6, s9, $0xb8;
	[tilespmem:$0x15900] =	vst v63  }
0x80: {  	_ =	swait.ge [sflag:s20], $0x4000  }
0x81: {  	[sflag:s20] =	ssyncset.done $0x0  }
0x82: {  	s6 =	simm.s32 $0x0;
	[sflag:s20] =	ssyncadd.s32 $0xFFFFC000  }
0x83: {  	v0 =	vld [tilespmem:s6+$0x9900]  }
0x84: {  	v1 =	vld [tilespmem:s6+$0x9910]  }
0x85: {  	v2 =	vld [tilespmem:s6+$0x9920]  }
0x86: {  	v3 =	vld [tilespmem:s6+$0x9930]  }
0x87: {  	v4 =	vld [tilespmem:s6+$0x9940]  }
0x88: {  	v5 =	vld [tilespmem:s6+$0x9950];
	v0 =	vmul.f32 $1.131370830e+01, v0  }
0x89: {  	v6 =	vld [tilespmem:s6+$0x9960];
	v1 =	vmul.f32 $1.131370830e+01, v1  }
0x8a: {  	v7 =	vld [tilespmem:s6+$0x9970];
	[tilespmem:s6+$0x9900] =	vst v0;
	v0 =	vmul.f32 $1.131370830e+01, v2  }
0x8b: {  	v8 =	vld [tilespmem:s6+$0x9980];
	[tilespmem:s6+$0x9910] =	vst v1;
	v1 =	vmul.f32 $1.131370830e+01, v3  }
0x8c: {  	v9 =	vld [tilespmem:s6+$0x9990];
	[tilespmem:s6+$0x9920] =	vst v0;
	v0 =	vmul.f32 $1.131370830e+01, v4  }
0x8d: {  	v2 =	vmul.f32 $1.131370830e+01, v5;
	[tilespmem:s6+$0x9930] =	vst v1;
	v1 =	vld [tilespmem:s6+$0x99A0]  }
0x8e: {  	v3 =	vmul.f32 $1.131370830e+01, v6;
	[tilespmem:s6+$0x9940] =	vst v0;
	v0 =	vld [tilespmem:s6+$0x99B0]  }
0x8f: {  	[tilespmem:s6+$0x9950] =	vst v2;
	v2 =	vld [tilespmem:s6+$0x99C0];
	v4 =	vmul.f32 $1.131370830e+01, v7  }
0x90: {  	v6 =	vmul.f32 $1.131370830e+01, v8;
	[tilespmem:s6+$0x9960] =	vst v3;
	v3 =	vld [tilespmem:s6+$0x99D0]  }
0x91: {  	s9 =	simm.s32 $0x400;
	v5 =	vmul.f32 $1.131370830e+01, v9;
	[tilespmem:s6+$0x9970] =	vst v4;
	v4 =	vld [tilespmem:s6+$0x99E0]  }
.LBB2_7:
0x92: {  	s10 =	sshra.s32 s9, $0x2;
	p1 =	sne.s32 s9, $0xFC00;
	[tilespmem:s6+$0x9980] =	vst v6;
	v1 =	vmul.f32 $1.131370830e+01, v1;
	v6 =	vld [tilespmem:s6+$0x99F0]  }
0x93: {  	v7 =	vld [tilespmem:s10+$0x9900];
	[tilespmem:s6+$0x9990] =	vst v5;
	v0 =	vmul.f32 $1.131370830e+01, v0  }
0x94: {  	v5 =	vld [tilespmem:s10+$0x9910];
	[tilespmem:s6+$0x99A0] =	vst v1;
	v1 =	vmul.f32 $1.131370830e+01, v2  }
0x95: {  	v2 =	vld [tilespmem:s10+$0x9920];
	[tilespmem:s6+$0x99B0] =	vst v0;
	v0 =	vmul.f32 $1.131370830e+01, v3  }
0x96: {  	v3 =	vld [tilespmem:s10+$0x9930];
	[tilespmem:s6+$0x99C0] =	vst v1;
	v1 =	vmul.f32 $1.131370830e+01, v4  }
0x97: {  	v4 =	vld [tilespmem:s10+$0x9940];
	[tilespmem:s6+$0x99D0] =	vst v0;
	v0 =	vmul.f32 $1.131370830e+01, v6  }
0x98: {  	v6 =	vmul.f32 $1.131370830e+01, v7;
	v7 =	vld [tilespmem:s10+$0x9950];
	[tilespmem:s6+$0x99E0] =	vst v1  }
0x99: {  	v1 =	vmul.f32 $1.131370830e+01, v5;
	v5 =	vld [tilespmem:s10+$0x9960];
	[tilespmem:s6+$0x99F0] =	vst v0;
	s6 =	smov.u32 s10  }
0x9a: {  	[tilespmem:s6+$0x9900] =	vst v6;
	v0 =	vmul.f32 $1.131370830e+01, v2;
	v2 =	vld [tilespmem:s6+$0x9970]  }
0x9b: {  	[tilespmem:s6+$0x9910] =	vst v1;
	v1 =	vmul.f32 $1.131370830e+01, v3;
	v3 =	vld [tilespmem:s6+$0x9980]  }
0x9c: {  	[tilespmem:s6+$0x9920] =	vst v0;
	v0 =	vmul.f32 $1.131370830e+01, v4;
	v4 =	vld [tilespmem:s6+$0x9990]  }
.Ltmp2:
0x9d: {  	[tilespmem:s6+$0x9930] =	vst v1;
	v6 =	vmul.f32 $1.131370830e+01, v7;
	v1 =	vld [tilespmem:s6+$0x99A0];
	(pc) =	sbr.rel @p1 .LBB2_7-.Ltmp2, $4  }
0x9e: {  	[tilespmem:s6+$0x9940] =	vst v0;
	v5 =	vmul.f32 $1.131370830e+01, v5;
	v0 =	vld [tilespmem:s6+$0x99B0]  }
0x9f: {  	[tilespmem:s6+$0x9950] =	vst v6;
	v7 =	vmul.f32 $1.131370830e+01, v2;
	v2 =	vld [tilespmem:s6+$0x99C0]  }
0xa0: {  	[tilespmem:s6+$0x9960] =	vst v5;
	v6 =	vmul.f32 $1.131370830e+01, v3;
	v3 =	vld [tilespmem:s6+$0x99D0]  }
0xa1: {  	s9 =	sadd.s32 $0x400, s9;
	[tilespmem:s6+$0x9970] =	vst v7;
	v5 =	vmul.f32 $1.131370830e+01, v4;
	v4 =	vld [tilespmem:s6+$0x99E0]  }
0xa2: {  	[tilespmem:s6+$0x9980] =	vst v6;
	v1 =	vmul.f32 $1.131370830e+01, v1;
	v6 =	vld [tilespmem:s6+$0x99F0]  }
0xa3: {  	[tilespmem:s6+$0x9990] =	vst v5;
	v0 =	vmul.f32 $1.131370830e+01, v0  }
0xa4: {  	[tilespmem:s6+$0x99A0] =	vst v1;
	v1 =	vmul.f32 $1.131370830e+01, v2  }
0xa5: {  	[tilespmem:s6+$0x99B0] =	vst v0;
	v0 =	vmul.f32 $1.131370830e+01, v3  }
0xa6: {  	[tilespmem:s6+$0x99C0] =	vst v1;
	v1 =	vmul.f32 $1.131370830e+01, v4  }
0xa7: {  	s0 =	sadd.s32 s8, s0;
	[tilespmem:s6+$0x99D0] =	vst v0;
	v0 =	vmul.f32 $1.131370830e+01, v6  }
0xa8: {  	s0 =	sshrl.u32 s0, $0x3;
	[tilespmem:s6+$0x99E0] =	vst v1  }
0xa9: {  	s0 =	sadd.s32 s3, s0;
	[tilespmem:s6+$0x99F0] =	vst v0  }
0xaa: {  	[hbm4b:s0+s4] =	stream.linear.scatter [tilespmem:s15], [sflag:$0x8], $0x4000, $0x38;
	[tilespmem:$0x15900] =	vst v63  }
0xab: {  	s0 =	simm.s32 @!p0 $0x7  }
0xac: {  	_ =	swait.ge @!p0 [sflag:s0], $0x4000  }
0xad: {  	s9 =	simm.s32 @!p0 $0x5900;
	[sflag:s0] =	ssyncset.done @!p0 $0x0  }
0xae: {  	s6 =	simm.s32 @!p0 $0x80;
	[sflag:s0] =	ssyncadd.s32 @!p0 $0xFFFFC000;
	s0 =	sadd.s32 @!p0 $0x300, s14  }
0xaf: {  	[tilespmem:s9], [sflag:$0x2] =	stream.indirect.gather @!p0 [hbm4b:s2+s6], $0x80, s0, s6, $0xb8;
	[tilespmem:$0x15900] =	vst v63  }
0xb0: {  	_ =	swait.ge [sflag:s21], $0x4000  }
0xb1: {  	[sflag:s21] =	ssyncset.done $0x0  }
0xb2: {  	s0 =	simm.s32 $0x0;
	[sflag:s21] =	ssyncadd.s32 $0xFFFFC000  }
0xb3: {  	v0 =	vld [tilespmem:s0+$0xD900]  }
0xb4: {  	v1 =	vld [tilespmem:s0+$0xD910]  }
0xb5: {  	v2 =	vld [tilespmem:s0+$0xD920]  }
0xb6: {  	v3 =	vld [tilespmem:s0+$0xD930]  }
0xb7: {  	v4 =	vld [tilespmem:s0+$0xD940]  }
0xb8: {  	v5 =	vld [tilespmem:s0+$0xD950];
	v0 =	vmul.f32 $1.131370830e+01, v0  }
0xb9: {  	v6 =	vld [tilespmem:s0+$0xD960];
	v1 =	vmul.f32 $1.131370830e+01, v1  }
0xba: {  	v7 =	vld [tilespmem:s0+$0xD970];
	[tilespmem:s0+$0xD900] =	vst v0;
	v0 =	vmul.f32 $1.131370830e+01, v2  }
0xbb: {  	v8 =	vld [tilespmem:s0+$0xD980];
	[tilespmem:s0+$0xD910] =	vst v1;
	v1 =	vmul.f32 $1.131370830e+01, v3  }
0xbc: {  	v9 =	vld [tilespmem:s0+$0xD990];
	[tilespmem:s0+$0xD920] =	vst v0;
	v0 =	vmul.f32 $1.131370830e+01, v4  }
0xbd: {  	v2 =	vmul.f32 $1.131370830e+01, v5;
	[tilespmem:s0+$0xD930] =	vst v1;
	v1 =	vld [tilespmem:s0+$0xD9A0]  }
0xbe: {  	v3 =	vmul.f32 $1.131370830e+01, v6;
	[tilespmem:s0+$0xD940] =	vst v0;
	v0 =	vld [tilespmem:s0+$0xD9B0]  }
0xbf: {  	[tilespmem:s0+$0xD950] =	vst v2;
	v2 =	vld [tilespmem:s0+$0xD9C0];
	v4 =	vmul.f32 $1.131370830e+01, v7  }
0xc0: {  	v6 =	vmul.f32 $1.131370830e+01, v8;
	[tilespmem:s0+$0xD960] =	vst v3;
	v3 =	vld [tilespmem:s0+$0xD9D0]  }
0xc1: {  	s6 =	simm.s32 $0x400;
	v5 =	vmul.f32 $1.131370830e+01, v9;
	[tilespmem:s0+$0xD970] =	vst v4;
	v4 =	vld [tilespmem:s0+$0xD9E0]  }
.LBB2_9:
0xc2: {  	s9 =	sshra.s32 s6, $0x2;
	p1 =	sne.s32 s6, $0xFC00;
	[tilespmem:s0+$0xD980] =	vst v6;
	v1 =	vmul.f32 $1.131370830e+01, v1;
	v6 =	vld [tilespmem:s0+$0xD9F0]  }
0xc3: {  	v7 =	vld [tilespmem:s9+$0xD900];
	[tilespmem:s0+$0xD990] =	vst v5;
	v0 =	vmul.f32 $1.131370830e+01, v0  }
0xc4: {  	v5 =	vld [tilespmem:s9+$0xD910];
	[tilespmem:s0+$0xD9A0] =	vst v1;
	v1 =	vmul.f32 $1.131370830e+01, v2  }
0xc5: {  	v2 =	vld [tilespmem:s9+$0xD920];
	[tilespmem:s0+$0xD9B0] =	vst v0;
	v0 =	vmul.f32 $1.131370830e+01, v3  }
0xc6: {  	v3 =	vld [tilespmem:s9+$0xD930];
	[tilespmem:s0+$0xD9C0] =	vst v1;
	v1 =	vmul.f32 $1.131370830e+01, v4  }
0xc7: {  	v4 =	vld [tilespmem:s9+$0xD940];
	[tilespmem:s0+$0xD9D0] =	vst v0;
	v0 =	vmul.f32 $1.131370830e+01, v6  }
0xc8: {  	v6 =	vmul.f32 $1.131370830e+01, v7;
	v7 =	vld [tilespmem:s9+$0xD950];
	[tilespmem:s0+$0xD9E0] =	vst v1  }
0xc9: {  	v1 =	vmul.f32 $1.131370830e+01, v5;
	v5 =	vld [tilespmem:s9+$0xD960];
	[tilespmem:s0+$0xD9F0] =	vst v0;
	s0 =	smov.u32 s9  }
0xca: {  	[tilespmem:s0+$0xD900] =	vst v6;
	v0 =	vmul.f32 $1.131370830e+01, v2;
	v2 =	vld [tilespmem:s0+$0xD970]  }
0xcb: {  	[tilespmem:s0+$0xD910] =	vst v1;
	v1 =	vmul.f32 $1.131370830e+01, v3;
	v3 =	vld [tilespmem:s0+$0xD980]  }
0xcc: {  	[tilespmem:s0+$0xD920] =	vst v0;
	v0 =	vmul.f32 $1.131370830e+01, v4;
	v4 =	vld [tilespmem:s0+$0xD990]  }
.Ltmp3:
0xcd: {  	[tilespmem:s0+$0xD930] =	vst v1;
	v6 =	vmul.f32 $1.131370830e+01, v7;
	v1 =	vld [tilespmem:s0+$0xD9A0];
	(pc) =	sbr.rel @p1 .LBB2_9-.Ltmp3, $4  }
0xce: {  	[tilespmem:s0+$0xD940] =	vst v0;
	v5 =	vmul.f32 $1.131370830e+01, v5;
	v0 =	vld [tilespmem:s0+$0xD9B0]  }
0xcf: {  	[tilespmem:s0+$0xD950] =	vst v6;
	v7 =	vmul.f32 $1.131370830e+01, v2;
	v2 =	vld [tilespmem:s0+$0xD9C0]  }
0xd0: {  	[tilespmem:s0+$0xD960] =	vst v5;
	v6 =	vmul.f32 $1.131370830e+01, v3;
	v3 =	vld [tilespmem:s0+$0xD9D0]  }
0xd1: {  	s6 =	sadd.s32 $0x400, s6;
	[tilespmem:s0+$0xD970] =	vst v7;
	v5 =	vmul.f32 $1.131370830e+01, v4;
	v4 =	vld [tilespmem:s0+$0xD9E0]  }
0xd2: {  	[tilespmem:s0+$0xD980] =	vst v6;
	v1 =	vmul.f32 $1.131370830e+01, v1;
	v6 =	vld [tilespmem:s0+$0xD9F0]  }
0xd3: {  	[tilespmem:s0+$0xD990] =	vst v5;
	v0 =	vmul.f32 $1.131370830e+01, v0  }
0xd4: {  	[tilespmem:s0+$0xD9A0] =	vst v1;
	v1 =	vmul.f32 $1.131370830e+01, v2  }
0xd5: {  	[tilespmem:s0+$0xD9B0] =	vst v0;
	v0 =	vmul.f32 $1.131370830e+01, v3  }
0xd6: {  	s6 =	sshll.u32 s31, $0x13;
	[tilespmem:s0+$0xD9C0] =	vst v1;
	v1 =	vmul.f32 $1.131370830e+01, v4  }
0xd7: {  	s6 =	sor.u32 s5, s6;
	[tilespmem:s0+$0xD9D0] =	vst v0;
	v0 =	vmul.f32 $1.131370830e+01, v6  }
0xd8: {  	s6 =	sshrl.u32 s6, $0x3;
	[tilespmem:s0+$0xD9E0] =	vst v1  }
0xd9: {  	s31 =	sadd.s32 s3, s6;
	[tilespmem:s0+$0xD9F0] =	vst v0;
	s0 =	simm.s32 @!p0 $0x8  }
0xda: {  	[hbm4b:s31+s4] =	stream.linear.scatter [tilespmem:s16], [sflag:$0x9], $0x4000, $0x38;
	[tilespmem:$0x15900] =	vst v63  }
0xdb: {  	_ =	swait.ge @!p0 [sflag:s0], $0x4000  }
0xdc: {  	s9 =	simm.s32 @!p0 $0x9900;
	[sflag:s0] =	ssyncset.done @!p0 $0x0  }
0xdd: {  	s6 =	simm.s32 @!p0 $0x80;
	[sflag:s0] =	ssyncadd.s32 @!p0 $0xFFFFC000;
	s0 =	sadd.s32 @!p0 $0x380, s14  }
0xde: {  	[tilespmem:s9], [sflag:$0x3] =	stream.indirect.gather @!p0 [hbm4b:s2+s6], $0x80, s0, s6, $0xb8;
	[tilespmem:$0x15900] =	vst v63  }
0xdf: {  	_ =	swait.ge [sflag:s22], $0x4000  }
0xe0: {  	[sflag:s22] =	ssyncset.done $0x0  }
0xe1: {  	s0 =	simm.s32 $0x0;
	[sflag:s22] =	ssyncadd.s32 $0xFFFFC000  }
0xe2: {  	v0 =	vld [tilespmem:s0+$0x11900]  }
0xe3: {  	v1 =	vld [tilespmem:s0+$0x11910]  }
0xe4: {  	v2 =	vld [tilespmem:s0+$0x11920]  }
0xe5: {  	v3 =	vld [tilespmem:s0+$0x11930]  }
0xe6: {  	v4 =	vld [tilespmem:s0+$0x11940]  }
0xe7: {  	v5 =	vld [tilespmem:s0+$0x11950];
	v0 =	vmul.f32 $1.131370830e+01, v0  }
0xe8: {  	v6 =	vld [tilespmem:s0+$0x11960];
	v1 =	vmul.f32 $1.131370830e+01, v1  }
0xe9: {  	v7 =	vld [tilespmem:s0+$0x11970];
	[tilespmem:s0+$0x11900] =	vst v0;
	v0 =	vmul.f32 $1.131370830e+01, v2  }
0xea: {  	v8 =	vld [tilespmem:s0+$0x11980];
	[tilespmem:s0+$0x11910] =	vst v1;
	v1 =	vmul.f32 $1.131370830e+01, v3  }
0xeb: {  	v9 =	vld [tilespmem:s0+$0x11990];
	[tilespmem:s0+$0x11920] =	vst v0;
	v0 =	vmul.f32 $1.131370830e+01, v4  }
0xec: {  	v2 =	vmul.f32 $1.131370830e+01, v5;
	[tilespmem:s0+$0x11930] =	vst v1;
	v1 =	vld [tilespmem:s0+$0x119A0]  }
0xed: {  	v3 =	vmul.f32 $1.131370830e+01, v6;
	[tilespmem:s0+$0x11940] =	vst v0;
	v0 =	vld [tilespmem:s0+$0x119B0]  }
0xee: {  	[tilespmem:s0+$0x11950] =	vst v2;
	v2 =	vld [tilespmem:s0+$0x119C0];
	v4 =	vmul.f32 $1.131370830e+01, v7  }
0xef: {  	v6 =	vmul.f32 $1.131370830e+01, v8;
	[tilespmem:s0+$0x11960] =	vst v3;
	v3 =	vld [tilespmem:s0+$0x119D0]  }
0xf0: {  	s6 =	simm.s32 $0x400;
	v5 =	vmul.f32 $1.131370830e+01, v9;
	[tilespmem:s0+$0x11970] =	vst v4;
	v4 =	vld [tilespmem:s0+$0x119E0]  }
.LBB2_11:
0xf1: {  	s9 =	sshra.s32 s6, $0x2;
	p0 =	sne.s32 s6, $0xFC00;
	[tilespmem:s0+$0x11980] =	vst v6;
	v1 =	vmul.f32 $1.131370830e+01, v1;
	v6 =	vld [tilespmem:s0+$0x119F0]  }
0xf2: {  	v7 =	vld [tilespmem:s9+$0x11900];
	[tilespmem:s0+$0x11990] =	vst v5;
	v0 =	vmul.f32 $1.131370830e+01, v0  }
0xf3: {  	v5 =	vld [tilespmem:s9+$0x11910];
	[tilespmem:s0+$0x119A0] =	vst v1;
	v1 =	vmul.f32 $1.131370830e+01, v2  }
0xf4: {  	v2 =	vld [tilespmem:s9+$0x11920];
	[tilespmem:s0+$0x119B0] =	vst v0;
	v0 =	vmul.f32 $1.131370830e+01, v3  }
0xf5: {  	v3 =	vld [tilespmem:s9+$0x11930];
	[tilespmem:s0+$0x119C0] =	vst v1;
	v1 =	vmul.f32 $1.131370830e+01, v4  }
0xf6: {  	v4 =	vld [tilespmem:s9+$0x11940];
	[tilespmem:s0+$0x119D0] =	vst v0;
	v0 =	vmul.f32 $1.131370830e+01, v6  }
0xf7: {  	v6 =	vmul.f32 $1.131370830e+01, v7;
	v7 =	vld [tilespmem:s9+$0x11950];
	[tilespmem:s0+$0x119E0] =	vst v1  }
0xf8: {  	v1 =	vmul.f32 $1.131370830e+01, v5;
	v5 =	vld [tilespmem:s9+$0x11960];
	[tilespmem:s0+$0x119F0] =	vst v0;
	s0 =	smov.u32 s9  }
0xf9: {  	[tilespmem:s0+$0x11900] =	vst v6;
	v0 =	vmul.f32 $1.131370830e+01, v2;
	v2 =	vld [tilespmem:s0+$0x11970]  }
0xfa: {  	[tilespmem:s0+$0x11910] =	vst v1;
	v1 =	vmul.f32 $1.131370830e+01, v3;
	v3 =	vld [tilespmem:s0+$0x11980]  }
0xfb: {  	[tilespmem:s0+$0x11920] =	vst v0;
	v0 =	vmul.f32 $1.131370830e+01, v4;
	v4 =	vld [tilespmem:s0+$0x11990]  }
.Ltmp4:
0xfc: {  	[tilespmem:s0+$0x11930] =	vst v1;
	v6 =	vmul.f32 $1.131370830e+01, v7;
	v1 =	vld [tilespmem:s0+$0x119A0];
	(pc) =	sbr.rel @p0 .LBB2_11-.Ltmp4, $4  }
0xfd: {  	[tilespmem:s0+$0x11940] =	vst v0;
	v5 =	vmul.f32 $1.131370830e+01, v5;
	v0 =	vld [tilespmem:s0+$0x119B0]  }
0xfe: {  	[tilespmem:s0+$0x11950] =	vst v6;
	v7 =	vmul.f32 $1.131370830e+01, v2;
	v2 =	vld [tilespmem:s0+$0x119C0]  }
0xff: {  	[tilespmem:s0+$0x11960] =	vst v5;
	v6 =	vmul.f32 $1.131370830e+01, v3;
	v3 =	vld [tilespmem:s0+$0x119D0]  }
0x100: {  	s6 =	sadd.s32 $0x400, s6;
	[tilespmem:s0+$0x11970] =	vst v7;
	v5 =	vmul.f32 $1.131370830e+01, v4;
	v4 =	vld [tilespmem:s0+$0x119E0]  }
0x101: {  	[tilespmem:s0+$0x11980] =	vst v6;
	v1 =	vmul.f32 $1.131370830e+01, v1;
	v59 =	vld [tilespmem:s0+$0x119F0]  }
0x102: {  	[tilespmem:s0+$0x11990] =	vst v5;
	v0 =	vmul.f32 $1.131370830e+01, v0  }
0x103: {  	s30 =	sadd.s32 $0x1, s30;
	[tilespmem:s0+$0x119A0] =	vst v1;
	v60 =	vmul.f32 $1.131370830e+01, v2  }
0x104: {  	p0 =	sne.s32 s30, $0xA;
	[tilespmem:s0+$0x119B0] =	vst v0;
	v61 =	vmul.f32 $1.131370830e+01, v3  }
.Ltmp5:
0x105: {  	s1 =	sshll.u32 s1, $0x13;
	[tilespmem:s0+$0x119C0] =	vst v60;
	v62 =	vmul.f32 $1.131370830e+01, v4;
	(pc) =	sbr.rel @p0 .LBB2_2-.Ltmp5, $4  }
0x106: {  	s1 =	sor.u32 s5, s1;
	[tilespmem:s0+$0x119D0] =	vst v61;
	v63 =	vmul.f32 $1.131370830e+01, v59  }
0x107: {  	s1 =	sshrl.u32 s1, $0x3;
	[tilespmem:s0+$0x119E0] =	vst v62  }
0x108: {  	s31 =	sadd.s32 s3, s1;
	[tilespmem:s0+$0x119F0] =	vst v63  }
0x109: {  	[hbm4b:s31+s4] =	stream.linear.scatter [tilespmem:s18], [sflag:$0xA], $0x4000, $0x38;
	[tilespmem:$0x15900] =	vst v63  }
0x10a: {  	_ =	swait.ge [sflag:s23], $0x4000  }
0x10b: {  	[sflag:s23] =	ssyncset.done $0x0  }
0x10c: {  	[sflag:s23] =	ssyncadd.s32 $0xFFFFC000  }
0x10d: {  	_ =	swait.ge [sflag:s24], $0x4000  }
0x10e: {  	[sflag:s24] =	ssyncset.done $0x0  }
0x10f: {  	[sflag:s24] =	ssyncadd.s32 $0xFFFFC000  }
0x110: {  	_ =	swait.ge [sflag:s25], $0x4000  }
0x111: {  	[sflag:s25] =	ssyncset.done $0x0  }
0x112: {  	[sflag:s25] =	ssyncadd.s32 $0xFFFFC000  }
0x113: {  	_ =	swait.ge [sflag:s26], $0x4000  }
0x114: {  	[sflag:s26] =	ssyncset.done $0x0  }
0x115: {  	[sflag:s26] =	ssyncadd.s32 $0xFFFFC000  }
0x116: {  	_ =	swait.ge [sflag:s28], $0x4000  }
0x117: {  	s29 =	sadd.s32 $0x1, s29;
	s0 =	rddreg [dreg:$0x5]  }
0x118: {  	p0 =	sne.s32 s29, s0  }
.Ltmp6:
0x119: {  	_ = 	snop;
	(pc) =	sbr.rel @p0 .LBB2_1-.Ltmp6, $3  }
0x11a: {  	_ =	sdelay $0x1  }
0x11b: {  	[sflag:s28] =	ssyncset.done $0x0  }
0x11c: {  	[sflag:s28] =	ssyncadd.s32 $0xFFFFC000  }
0x11d: {  	_ =	sfence.sel $0x180000  }
0x11e: {  	[bflag:$0x0] =	sbarrier.arrive $0xFFFF  }
0x11f: {  	_ =	strace $0x90000047  }
0x120: {  	s0 =	stileid.u32;
	[bflag:$0x2] =	sbarrier.arrive $0xFFFF  }
0x121: {  	p0 =	sne.s32 s0, $0x0;
	s0 =	rddreg [dreg:$0x3]  }
0x122: {  	s0 =	sadd.s32 @!p0 $0x100000, s0  }
0x123: {  	[sflag:s0] =	ssyncadd.tile.s32 @!p0 $0x1;
	_ =	shalt  }
.Lfunc_end2:
_tile_overlayer_lowered:
.L_overlay_start_2:
0x124: {  	(tag) =	ssettag $0x2  }
0x125: {  	s0 =	rddreg [dreg:$0x0];
	s2 =	stileid.u32  }
0x126: {  	s1 =	rddreg [dreg:$0x1];
	p0 =	sne.s32 s2, $0x0  }
0x127: {  	s3 =	rddreg [dreg:$0x2];
	[bflag:$0x3] =	sbarrier.arrive $0xFFFF;
	s2 =	simm.s32 @!p0 $0x1C0B  }
0x128: {  	[timem:s3], [sflag:s2] =	dma.local @!p0 [hbm:s0], s1  }
0x129: {  	s0 =	simm.s32 @!p0 $0xB  }
0x12a: {  	_ =	swait.ge @!p0 [sflag:s0], s1  }
0x12b: {  	s1 =	ssub.s32 @!p0 $0x0, s1;
	[sflag:s0] =	ssyncset.done @!p0 $0x0  }
0x12c: {  	[sflag:s0] =	ssyncadd.s32 @!p0 s1  }
0x12d: {  	[bflag:$0x3] =	sbarrier.arrive $0xFFFF  }
0x12e: {  	_ =	shalt  }

</sc_bundles>
